<compile_context>
chip_gen: v7x
topology: tpu7x:2x2x1
jax: 0.10.2.dev20260603
libtpu: 0.0.44.dev20260713+nightly
codegen_flags: <defaults>
</compile_context>

<pallas_src>
import functools

import jax
import jax.numpy as jnp
from jax import lax
from jax.experimental import pallas as pl
from jax.experimental.pallas import tpu as pltpu
from jax.experimental.pallas import tpu_sc as plsc

RADIUS2 = 0.2 * 0.2
NSAMPLE = 32
B = 4
NB = 16384
MB = 4096
C = 64
M = B * MB
NC = 2
NS = 16
NW = NC * NS
QPW = M // NW
GROW = 80
OROW = (3 + C) * NSAMPLE
IBQ = 64


def _splat(x, dtype=jnp.int32):
    return jnp.full((16,), x, dtype=dtype)


def _bf16_round(x):
    u = plsc.bitcast(x, jnp.int32)
    r = (u + 0x7FFF + ((u >> 16) & 1)) & jnp.int32(-65536)
    return plsc.bitcast(r, jnp.float32)


_mesh = plsc.VectorSubcoreMesh(core_axis_name="c", subcore_axis_name="s")


@functools.partial(
    pl.kernel,
    out_type=[
        jax.ShapeDtypeStruct((M, OROW), jnp.float32),
        jax.ShapeDtypeStruct((M * NSAMPLE,), jnp.int32),
    ],
    mesh=_mesh,
    compiler_params=pltpu.CompilerParams(
        needs_layout_passes=False, use_tc_tiling_on_sc=False),
    scratch_types=[
        pltpu.VMEM((NB,), jnp.float32),
        pltpu.VMEM((NB,), jnp.float32),
        pltpu.VMEM((NB,), jnp.float32),
        pltpu.VMEM((NB,), jnp.float32),
        pltpu.VMEM((3072,), jnp.float32),
        pltpu.VMEM((QPW * 3,), jnp.float32),
        pltpu.VMEM((256,), jnp.int32),
        pltpu.VMEM((128,), jnp.int32),
        pltpu.VMEM((2 * NSAMPLE,), jnp.int32),
        pltpu.VMEM((NSAMPLE, GROW), jnp.float32),
        pltpu.VMEM((2 * OROW,), jnp.float32),
        pltpu.VMEM((IBQ * NSAMPLE,), jnp.int32),
        pltpu.SemaphoreType.DMA,
        pltpu.SemaphoreType.DMA,
    ],
)
def _ball_group_sc(xyz_hbm, new_hbm, cnts_hbm, cat_hbm, out_hbm, idx_hbm,
                   rx, ry, rz, spb, temp, qbuf, cbuf, wbuf, gidx, grows,
                   obuf, ibuf, semg, semo):
    cid = lax.axis_index("c")
    sid = lax.axis_index("s")
    wid = sid * NC + cid
    qbase = wid * QPW
    b = qbase // MB

    pltpu.sync_copy(new_hbm.at[pl.ds(qbase * 3, QPW * 3)], qbuf)
    pltpu.sync_copy(cnts_hbm, cbuf.at[pl.ds(0, 16)])

    iota = lax.iota(jnp.int32, 16)
    iota3 = iota * 3
    cv = cbuf[pl.ds(0, 16)]
    csum = plsc.cumsum(jnp.where(iota < 8, cv, 0))
    resid_s = _splat(csum[15] - (B * NB + B * MB))
    bofs = _splat(b * NB)

    def prep(ci, carry):
        pltpu.sync_copy(xyz_hbm.at[pl.ds(b * NB * 3 + ci * 3072, 3072)], temp)

        def prep16(j, carry2):
            ibase = _splat(j * 48) + iota3
            xv = plsc.load_gather(temp, [ibase])
            yv = plsc.load_gather(temp, [ibase + 1])
            zv = plsc.load_gather(temp, [ibase + 2])
            off = ci * 1024 + j * 16
            rx[pl.ds(off, 16)] = _bf16_round(xv)
            ry[pl.ds(off, 16)] = _bf16_round(yv)
            rz[pl.ds(off, 16)] = _bf16_round(zv)
            spb[pl.ds(off, 16)] = (xv * xv + zv * zv) + yv * yv
            return carry2

        lax.fori_loop(0, 64, prep16, 0)
        return carry

    lax.fori_loop(0, 16, prep, 0)

    def transpose_prev(qp, n_prev):
        slot = qp % 2
        sb = slot * OROW
        rows0 = iota
        rows1 = rows0 + 16
        n_ps = _splat(n_prev)
        scale = jnp.where(n_ps > 0, jnp.float32(1.0), jnp.float32(0.0))
        qp3 = qp * 3
        qxp = plsc.load_gather(qbuf, [_splat(qp3)])
        qyp = plsc.load_gather(qbuf, [_splat(qp3 + 1)])
        qzp = plsc.load_gather(qbuf, [_splat(qp3 + 2)])
        qc = (qxp, qyp, qzp)
        for c in range(3):
            cs = _splat(c)
            g0 = plsc.load_gather(grows, [rows0, cs])
            g1 = plsc.load_gather(grows, [rows1, cs])
            obuf[pl.ds(sb + c * NSAMPLE, 16)] = (g0 - qc[c]) * scale
            obuf[pl.ds(sb + c * NSAMPLE + 16, 16)] = (g1 - qc[c]) * scale

        def tbody(ch, carry2):
            c0 = 2 * ch
            cs0 = _splat(c0 + 3)
            cs1 = _splat(c0 + 4)
            a0 = plsc.load_gather(grows, [rows0, cs0])
            a1 = plsc.load_gather(grows, [rows1, cs0])
            b0 = plsc.load_gather(grows, [rows0, cs1])
            b1 = plsc.load_gather(grows, [rows1, cs1])
            off = sb + (3 + c0) * NSAMPLE
            obuf[pl.ds(off, 16)] = a0 * scale
            obuf[pl.ds(off + 16, 16)] = a1 * scale
            obuf[pl.ds(off + NSAMPLE, 16)] = b0 * scale
            obuf[pl.ds(off + NSAMPLE + 16, 16)] = b1 * scale
            return carry2

        lax.fori_loop(0, C // 2, tbody, 0)
        pltpu.async_copy(
            obuf.at[pl.ds(sb, OROW)], out_hbm.at[qbase + qp], semo)

    def qbody(ql, n_prev):
        q3 = ql * 3
        qx = plsc.load_gather(qbuf, [_splat(q3)])
        qy = plsc.load_gather(qbuf, [_splat(q3 + 1)])
        qz = plsc.load_gather(qbuf, [_splat(q3 + 2)])
        sq = (qx * qx + qz * qz) + qy * qy
        qbx = _bf16_round(qx)
        qby = _bf16_round(qy)
        qbz = _bf16_round(qz)

        def cond(st):
            p, cnt = st
            return jnp.logical_and(cnt < NSAMPLE, p < NB)

        def sbody(st):
            p, cnt = st
            for k in range(4):
                off = p + 16 * k
                xv = rx[pl.ds(off, 16)]
                yv = ry[pl.ds(off, 16)]
                zv = rz[pl.ds(off, 16)]
                spv = spb[pl.ds(off, 16)]
                dot = (qbx * xv + qbz * zv) + qby * yv
                d2 = (sq + spv) - 2.0 * dot
                m = d2 < RADIUS2
                pidx = _splat(off) + iota
                plsc.store_compressed(wbuf.at[pl.ds(cnt, 16)], pidx, mask=m)
                pc = plsc.all_reduce_population_count(m)
                cnt = cnt + pc[0]
            return (p + 64, cnt)

        _, cnt = lax.while_loop(cond, sbody, (jnp.int32(0), jnp.int32(0)))
        n = jnp.minimum(cnt, NSAMPLE)
        n_s = _splat(n)
        wv0 = wbuf[pl.ds(0, 16)]
        fs = jnp.where(n_s > 0, _splat(wv0[0]), 0)
        idxA = jnp.where(iota < n_s, wv0, fs)
        idxB = jnp.where(iota + 16 < n_s, wbuf[pl.ds(16, 16)], fs)

        qi = ql % IBQ
        ibuf[pl.ds(qi * NSAMPLE, 16)] = idxA + resid_s
        ibuf[pl.ds(qi * NSAMPLE + 16, 16)] = idxB + resid_s

        @pl.when(qi == IBQ - 1)
        def _():
            blk = (ql // IBQ) * IBQ
            pltpu.sync_copy(
                ibuf,
                idx_hbm.at[pl.ds((qbase + blk) * NSAMPLE, IBQ * NSAMPLE)])

        gslot = (ql % 2) * NSAMPLE
        gidx[pl.ds(gslot, 16)] = idxA + bofs
        gidx[pl.ds(gslot + 16, 16)] = idxB + bofs

        @pl.when(ql > 0)
        def _():
            pltpu.make_async_copy(
                cat_hbm.at[gidx.at[pl.ds((1 - ql % 2) * NSAMPLE, NSAMPLE)]],
                grows, semg).wait()

            @pl.when(ql > 2)
            def _():
                pltpu.make_async_copy(
                    obuf.at[pl.ds(((ql - 1) % 2) * OROW, OROW)],
                    out_hbm.at[qbase + ql - 1], semo).wait()

            transpose_prev(ql - 1, n_prev)

        pltpu.async_copy(
            cat_hbm.at[gidx.at[pl.ds(gslot, NSAMPLE)]], grows, semg)
        return n

    n_last = lax.fori_loop(0, QPW, qbody, jnp.int32(0))

    pltpu.make_async_copy(
        obuf.at[pl.ds(((QPW - 1) % 2) * OROW, OROW)],
        out_hbm.at[qbase + QPW - 1], semo).wait()
    pltpu.make_async_copy(
        cat_hbm.at[gidx.at[pl.ds(((QPW - 1) % 2) * NSAMPLE, NSAMPLE)]],
        grows, semg).wait()
    transpose_prev(QPW - 1, n_last)
    pltpu.make_async_copy(
        obuf.at[pl.ds(((QPW - 2) % 2) * OROW, OROW)],
        out_hbm.at[qbase + QPW - 2], semo).wait()
    pltpu.make_async_copy(
        obuf.at[pl.ds(((QPW - 1) % 2) * OROW, OROW)],
        out_hbm.at[qbase + QPW - 1], semo).wait()


def kernel(xyz, xyz_batch_cnt, new_xyz, new_xyz_batch_cnt, features):
    xyz_f = xyz.reshape(-1)
    new_f = new_xyz.reshape(-1)
    cnts = jnp.concatenate([
        xyz_batch_cnt.astype(jnp.int32),
        new_xyz_batch_cnt.astype(jnp.int32),
        jnp.zeros((8,), jnp.int32),
    ])
    cat = jnp.concatenate(
        [xyz, features, jnp.zeros((NB * B, GROW - 3 - C), jnp.float32)],
        axis=1)
    out, idx = _ball_group_sc(xyz_f, new_f, cnts, cat)
    return out.reshape(M, 3 + C, NSAMPLE), idx.reshape(M, NSAMPLE)

# --- scband reference (transcript-rebuilt; emitter-appended) ---
"""Pipeline reference for scband-stack-query-and-group-77395310674256 (READ-ONLY COPY).

The authoritative reference and input builder live on the scoring server;
editing this copy changes nothing except your own understanding.
"""

import jax, jax.numpy as jnp
import numpy as np

RADIUS = 0.2
NSAMPLE = 32


def setup_inputs(seed: int = 0) -> dict:
    key = jax.random.key(seed)
    k1, k2, k3 = jax.random.split(key, 3)
    xyz = jax.random.uniform(k1, (65536, 3), dtype=jnp.float32)
    xyz_batch_cnt = jnp.full((4,), 16384, dtype=jnp.int32)
    new_xyz = jax.random.uniform(k2, (16384, 3), dtype=jnp.float32)
    new_xyz_batch_cnt = jnp.full((4,), 4096, dtype=jnp.int32)
    features = jax.random.normal(k3, (65536, 64), dtype=jnp.float32)
    return {
        'xyz': xyz,
        'xyz_batch_cnt': xyz_batch_cnt,
        'new_xyz': new_xyz,
        'new_xyz_batch_cnt': new_xyz_batch_cnt,
        'features': features,
    }


def _ball_group(xyz_b, new_b, feat_b):
    # ball query: for each new point, first NSAMPLE points within RADIUS (same batch)
    Nb = xyz_b.shape[0]
    d2 = (jnp.sum(new_b ** 2, axis=1)[:, None]
          + jnp.sum(xyz_b ** 2, axis=1)[None, :]
          - 2.0 * (new_b @ xyz_b.T))  # [Mb, Nb]
    within = d2 < (RADIUS * RADIUS)
    keys = jnp.where(within, jnp.arange(Nb, dtype=jnp.int32)[None, :], jnp.int32(Nb))
    svals = jnp.sort(keys, axis=1)[:, :NSAMPLE]  # smallest (i.e. first) indices within radius
    empty = svals[:, 0] == Nb
    first = jnp.where(empty, jnp.int32(0), svals[:, 0])
    idx = jnp.where(svals == Nb, first[:, None], svals)  # pad with first found idx (0 if empty)
    # grouping_operation -> (Mb, C, nsample)
    gx = jnp.transpose(xyz_b[idx], (0, 2, 1)) - new_b[:, :, None]
    gx = jnp.where(empty[:, None, None], 0.0, gx)
    gf = jnp.transpose(feat_b[idx], (0, 2, 1))
    gf = jnp.where(empty[:, None, None], 0.0, gf)
    nf = jnp.concatenate([gx, gf], axis=1)  # use_xyz=True -> (Mb, 3+C, nsample)
    return nf, idx


def reference(xyz, xyz_batch_cnt, new_xyz, new_xyz_batch_cnt, features):
    B = xyz_batch_cnt.shape[0]
    Nb = xyz.shape[0] // B
    Mb = new_xyz.shape[0] // new_xyz_batch_cnt.shape[0]
    feats_out, idx_out = [], []
    for b in range(B):
        xyz_b = xyz[b * Nb:(b + 1) * Nb]
        feat_b = features[b * Nb:(b + 1) * Nb]
        new_b = new_xyz[b * Mb:(b + 1) * Mb]
        nf, idx = _ball_group(xyz_b, new_b, feat_b)
        feats_out.append(nf)
        idx_out.append(idx)
    new_features = jnp.concatenate(feats_out, axis=0)  # (M_total, 3+C, nsample)
    idx_all = jnp.concatenate(idx_out, axis=0)  # (M_total, nsample), batch-local indices
    cnt_residual = ((jnp.sum(xyz_batch_cnt) - jnp.int32(xyz.shape[0]))
                    + (jnp.sum(new_xyz_batch_cnt) - jnp.int32(new_xyz.shape[0])))
    idx_all = idx_all + cnt_residual.astype(idx_all.dtype)
    return new_features, idx_all

if __name__ == "__main__":
    import jax
    _d = setup_inputs()
    print(jax.jit(kernel)(*tuple(_d.values())))

</pallas_src>

<mosaic_0001>
#map = affine_map<(d0, d1) -> (0)>
#map1 = affine_map<(d0, d1) -> (0, 0)>
module attributes {stable_mosaic.version = 14 : i64} {
  func.func @_ball_group_sc(%arg0: i32, %arg1: i32, %arg2: memref<196608xf32, #tpu.memory_space<hbm>>, %arg3: memref<49152xf32, #tpu.memory_space<hbm>>, %arg4: memref<16xi32, #tpu.memory_space<hbm>>, %arg5: memref<65536x80xf32, #tpu.memory_space<hbm>>, %arg6: memref<16384x2144xf32, #tpu.memory_space<hbm>>, %arg7: memref<524288xi32, #tpu.memory_space<hbm>>, %arg8: memref<16384xf32, #tpu.memory_space<vmem>>, %arg9: memref<16384xf32, #tpu.memory_space<vmem>>, %arg10: memref<16384xf32, #tpu.memory_space<vmem>>, %arg11: memref<16384xf32, #tpu.memory_space<vmem>>, %arg12: memref<3072xf32, #tpu.memory_space<vmem>>, %arg13: memref<1536xf32, #tpu.memory_space<vmem>>, %arg14: memref<256xi32, #tpu.memory_space<vmem>>, %arg15: memref<128xi32, #tpu.memory_space<vmem>>, %arg16: memref<64xi32, #tpu.memory_space<vmem>>, %arg17: memref<32x80xf32, #tpu.memory_space<vmem>>, %arg18: memref<4288xf32, #tpu.memory_space<vmem>>, %arg19: memref<2048xi32, #tpu.memory_space<vmem>>, %arg20: memref<!tpu.dma_semaphore, #tpu.memory_space<semaphore_mem>>, %arg21: memref<!tpu.dma_semaphore, #tpu.memory_space<semaphore_mem>>) attributes {dimension_semantics = [#tpu.dimension_semantics<core_parallel>, #tpu.dimension_semantics<subcore_parallel>], iteration_bounds = array<i64: 2, 16>, scalar_prefetch = 0 : i64, scratch_operands = 14 : i64, tpu.core_type = #tpu.core_type<sc_vector_subcore>, window_params = [{transform_indices = #map}, {transform_indices = #map}, {transform_indices = #map}, {transform_indices = #map1}, {transform_indices = #map1}, {transform_indices = #map}]} {
    %mul3A = arith.constant 2 : i32
    %mul3A_0 = arith.muli %arg1, %mul3A : i32
    %add3A = arith.addi %mul3A_0, %arg0 : i32
    %mul3A_1 = arith.constant 512 : i32
    %mul3A_2 = arith.muli %add3A, %mul3A_1 : i32
    %jit3A = arith.constant 4096 : i32
    %div3A = arith.divsi %mul3A_2, %jit3A : i32
    %sign3A = arith.constant 0 : i32
    %sign3A_3 = arith.cmpi sgt, %mul3A_2, %sign3A : i32
    %sign3A_4 = arith.extui %sign3A_3 : i1 to i32
    %sign3A_5 = arith.constant 0 : i32
    %sign3A_6 = arith.cmpi slt, %mul3A_2, %sign3A_5 : i32
    %sign3A_7 = arith.extui %sign3A_6 : i1 to i32
    %sign3A_8 = arith.subi %sign3A_4, %sign3A_7 : i32
    %sign3A_9 = arith.constant 0 : i32
    %sign3A_10 = arith.cmpi sgt, %jit3A, %sign3A_9 : i32
    %sign3A_11 = arith.extui %sign3A_10 : i1 to i32
    %sign3A_12 = arith.constant 0 : i32
    %sign3A_13 = arith.cmpi slt, %jit3A, %sign3A_12 : i32
    %sign3A_14 = arith.extui %sign3A_13 : i1 to i32
    %sign3A_15 = arith.subi %sign3A_11, %sign3A_14 : i32
    %ne3A = arith.cmpi ne, %sign3A_8, %sign3A_15 : i32
    %rem3A = arith.remsi %mul3A_2, %jit3A : i32
    %ne3A_16 = arith.constant 0 : i32
    %ne3A_17 = arith.cmpi ne, %rem3A, %ne3A_16 : i32
    %and3A = arith.andi %ne3A, %ne3A_17 : i1
    %sub3A = arith.constant 1 : i32
    %sub3A_18 = arith.subi %div3A, %sub3A : i32
    %select_n3A = arith.select %and3A, %sub3A_18, %div3A : i32
    %mul3A_19 = arith.constant 3 : i32
    %mul3A_20 = arith.muli %mul3A_2, %mul3A_19 : i32
    "tpu.region"() ({
      %run_scoped3A = tpu.sem_alloc : memref<!tpu.dma_semaphore, #tpu.memory_space<semaphore_mem>>
      %dma_start3A_166 = tpu.memref_slice %arg3[%mul3A_20] : memref<49152xf32, #tpu.memory_space<hbm>> -> memref<1536xf32, #tpu.memory_space<hbm>>
      %dma_start3A_167 = tpu.memref_slice %arg3[%mul3A_20] : memref<49152xf32, #tpu.memory_space<hbm>> -> memref<1536xf32, #tpu.memory_space<hbm>>
      tpu.enqueue_dma source(%dma_start3A_167 : memref<1536xf32, #tpu.memory_space<hbm>>) target(%arg13 : memref<1536xf32, #tpu.memory_space<vmem>>) target_semaphore(%run_scoped3A : memref<!tpu.dma_semaphore, #tpu.memory_space<semaphore_mem>>)
      %dma_wait3A_168 = tpu.memref_slice %arg3[%mul3A_20] : memref<49152xf32, #tpu.memory_space<hbm>> -> memref<1536xf32, #tpu.memory_space<hbm>>
      %dma_wait3A_169 = tpu.memref_slice %arg3[%mul3A_20] : memref<49152xf32, #tpu.memory_space<hbm>> -> memref<1536xf32, #tpu.memory_space<hbm>>
      tpu.wait_dma2 semaphore(%run_scoped3A : memref<!tpu.dma_semaphore, #tpu.memory_space<semaphore_mem>>) src(%dma_wait3A_169 : memref<1536xf32, #tpu.memory_space<hbm>>) dst(%arg13 : memref<1536xf32, #tpu.memory_space<vmem>>)
      tpu.yield
    }) : () -> ()
    "tpu.region"() ({
      %run_scoped3A = tpu.sem_alloc : memref<!tpu.dma_semaphore, #tpu.memory_space<semaphore_mem>>
      %dma_start3A_166 = arith.constant 0 : i32
      %dma_start3A_167 = tpu.memref_slice %arg14[%dma_start3A_166] : memref<256xi32, #tpu.memory_space<vmem>> -> memref<16xi32, #tpu.memory_space<vmem>>
      %dma_start3A_168 = arith.constant 0 : i32
      %dma_start3A_169 = tpu.memref_slice %arg14[%dma_start3A_168] : memref<256xi32, #tpu.memory_space<vmem>> -> memref<16xi32, #tpu.memory_space<vmem>>
      tpu.enqueue_dma source(%arg4 : memref<16xi32, #tpu.memory_space<hbm>>) target(%dma_start3A_169 : memref<16xi32, #tpu.memory_space<vmem>>) target_semaphore(%run_scoped3A : memref<!tpu.dma_semaphore, #tpu.memory_space<semaphore_mem>>)
      %dma_wait3A_170 = arith.constant 0 : i32
      %dma_wait3A_171 = tpu.memref_slice %arg14[%dma_wait3A_170] : memref<256xi32, #tpu.memory_space<vmem>> -> memref<16xi32, #tpu.memory_space<vmem>>
      %dma_wait3A_172 = arith.constant 0 : i32
      %dma_wait3A_173 = tpu.memref_slice %arg14[%dma_wait3A_172] : memref<256xi32, #tpu.memory_space<vmem>> -> memref<16xi32, #tpu.memory_space<vmem>>
      tpu.wait_dma2 semaphore(%run_scoped3A : memref<!tpu.dma_semaphore, #tpu.memory_space<semaphore_mem>>) src(%arg4 : memref<16xi32, #tpu.memory_space<hbm>>) dst(%dma_wait3A_173 : memref<16xi32, #tpu.memory_space<vmem>>)
      tpu.yield
    }) : () -> ()
    %iota3A = tpu.iota {dimensions = array<i32: 0>} : vector<16xi32>
    %mul3A_21 = arith.constant 3 : i32
    %mul3A_22 = vector.broadcast %mul3A_21 : i32 to vector<16xi32>
    %mul3A_23 = arith.muli %iota3A, %mul3A_22 : vector<16xi32>
    %get3A = arith.constant 0 : index
    %get3A_24 = tpu.vector_load %arg14[%get3A] {strides = array<i32>} : memref<256xi32, #tpu.memory_space<vmem>>, vector<16xi32>,
    %lt3A = arith.constant 8 : i32
    %lt3A_25 = vector.broadcast %lt3A : i32 to vector<16xi32>
    %lt3A_26 = arith.cmpi slt, %iota3A, %lt3A_25 : vector<16xi32>
    %jit3A_27 = arith.constant 0 : i32
    %broadcast_in_dim3A = vector.broadcast %jit3A_27 : i32 to vector<16xi32>
    %select_n3A_28 = arith.select %lt3A_26, %get3A_24, %broadcast_in_dim3A : vector<16xi1>, vector<16xi32>
    %broadcast_in_dim3A_29 = arith.constant true
    %broadcast_in_dim3A_30 = vector.broadcast %broadcast_in_dim3A_29 : i1 to vector<16xi1>
    %masked_cumsum3A = tpu.scan <sum>, %select_n3A_28 masked %broadcast_in_dim3A_30 : vector<16xi32>, vector<16xi1> -> vector<16xi32>
    %slice3A = vector.extract_strided_slice %masked_cumsum3A {offsets = [15], sizes = [1], strides = [1]} : vector<16xi32> to vector<1xi32>
    %squeeze3A = vector.extract %slice3A[0] : i32 from vector<1xi32>
    %sub3A_31 = arith.constant 81920 : i32
    %sub3A_32 = arith.subi %squeeze3A, %sub3A_31 : i32
    %broadcast_in_dim3A_33 = vector.broadcast %sub3A_32 : i32 to vector<16xi32>
    %mul3A_34 = arith.constant 16384 : i32
    %mul3A_35 = arith.muli %select_n3A, %mul3A_34 : i32
    %broadcast_in_dim3A_36 = vector.broadcast %mul3A_35 : i32 to vector<16xi32>
    %scan3A = arith.constant 0 : i32
    %scan3A_37 = arith.constant 0 : i32
    %scan3A_38 = arith.constant 16 : i32
    %scan3A_39 = arith.addi %scan3A_37, %scan3A_38 : i32
    %scan3A_40 = arith.constant 1 : i32
    scf.for %scan3A_166 = %scan3A_37 to %scan3A_39 step %scan3A_40  : i32 {
      %mul3A_167 = arith.constant 16384 : i32
      %mul3A_168 = arith.muli %select_n3A, %mul3A_167 : i32
      %mul3A_169 = arith.constant 3 : i32
      %mul3A_170 = arith.muli %mul3A_168, %mul3A_169 : i32
      %mul3A_171 = arith.constant 3072 : i32
      %mul3A_172 = arith.muli %scan3A_166, %mul3A_171 : i32
      %add3A_173 = arith.addi %mul3A_170, %mul3A_172 : i32
      "tpu.region"() ({
        %run_scoped3A = tpu.sem_alloc : memref<!tpu.dma_semaphore, #tpu.memory_space<semaphore_mem>>
        %dma_start3A_180 = tpu.memref_slice %arg2[%add3A_173] : memref<196608xf32, #tpu.memory_space<hbm>> -> memref<3072xf32, #tpu.memory_space<hbm>>
        %dma_start3A_181 = tpu.memref_slice %arg2[%add3A_173] : memref<196608xf32, #tpu.memory_space<hbm>> -> memref<3072xf32, #tpu.memory_space<hbm>>
        tpu.enqueue_dma source(%dma_start3A_181 : memref<3072xf32, #tpu.memory_space<hbm>>) target(%arg12 : memref<3072xf32, #tpu.memory_space<vmem>>) target_semaphore(%run_scoped3A : memref<!tpu.dma_semaphore, #tpu.memory_space<semaphore_mem>>)
        %dma_wait3A_182 = tpu.memref_slice %arg2[%add3A_173] : memref<196608xf32, #tpu.memory_space<hbm>> -> memref<3072xf32, #tpu.memory_space<hbm>>
        %dma_wait3A_183 = tpu.memref_slice %arg2[%add3A_173] : memref<196608xf32, #tpu.memory_space<hbm>> -> memref<3072xf32, #tpu.memory_space<hbm>>
        tpu.wait_dma2 semaphore(%run_scoped3A : memref<!tpu.dma_semaphore, #tpu.memory_space<semaphore_mem>>) src(%dma_wait3A_183 : memref<3072xf32, #tpu.memory_space<hbm>>) dst(%arg12 : memref<3072xf32, #tpu.memory_space<vmem>>)
        tpu.yield
      }) : () -> ()
      %scan3A_174 = arith.constant 0 : i32
      %scan3A_175 = arith.constant 0 : i32
      %scan3A_176 = arith.constant 64 : i32
      %scan3A_177 = arith.addi %scan3A_175, %scan3A_176 : i32
      %scan3A_178 = arith.constant 1 : i32
      scf.for %scan3A_180 = %scan3A_175 to %scan3A_177 step %scan3A_178  : i32 {
        %mul3A_181 = arith.constant 48 : i32
        %mul3A_182 = arith.muli %scan3A_180, %mul3A_181 : i32
        %broadcast_in_dim3A_183 = vector.broadcast %mul3A_182 : i32 to vector<16xi32>
        %add3A_184 = arith.addi %broadcast_in_dim3A_183, %mul3A_23 : vector<16xi32>
        %gather3A_185 = tpu.vector_load_idx %arg12[%add3A_184] : memref<3072xf32, #tpu.memory_space<vmem>>[vector<16xi32>], vector<16xf32>,
        %add3A_186 = arith.constant 1 : i32
        %add3A_187 = vector.broadcast %add3A_186 : i32 to vector<16xi32>
        %add3A_188 = arith.addi %add3A_184, %add3A_187 : vector<16xi32>
        %gather3A_189 = tpu.vector_load_idx %arg12[%add3A_188] : memref<3072xf32, #tpu.memory_space<vmem>>[vector<16xi32>], vector<16xf32>,
        %add3A_190 = arith.constant 2 : i32
        %add3A_191 = vector.broadcast %add3A_190 : i32 to vector<16xi32>
        %add3A_192 = arith.addi %add3A_184, %add3A_191 : vector<16xi32>
        %gather3A_193 = tpu.vector_load_idx %arg12[%add3A_192] : memref<3072xf32, #tpu.memory_space<vmem>>[vector<16xi32>], vector<16xf32>,
        %mul3A_194 = arith.constant 1024 : i32
        %mul3A_195 = arith.muli %scan3A_166, %mul3A_194 : i32
        %mul3A_196 = arith.constant 16 : i32
        %mul3A_197 = arith.muli %scan3A_180, %mul3A_196 : i32
        %add3A_198 = arith.addi %mul3A_195, %mul3A_197 : i32
        %bitcast3A = vector.bitcast %gather3A_185 : vector<16xf32> to vector<16xi32>
        %add3A_199 = arith.constant 32767 : i32
        %add3A_200 = vector.broadcast %add3A_199 : i32 to vector<16xi32>
        %add3A_201 = arith.addi %bitcast3A, %add3A_200 : vector<16xi32>
        %shift_right_arithmetic3A = arith.constant 16 : i32
        %shift_right_arithmetic3A_202 = vector.broadcast %shift_right_arithmetic3A : i32 to vector<16xi32>
        %shift_right_arithmetic3A_203 = arith.shrsi %bitcast3A, %shift_right_arithmetic3A_202 : vector<16xi32>
        %and3A_204 = arith.constant 1 : i32
        %and3A_205 = vector.broadcast %and3A_204 : i32 to vector<16xi32>
        %and3A_206 = arith.andi %shift_right_arithmetic3A_203, %and3A_205 : vector<16xi32>
        %add3A_207 = arith.addi %add3A_201, %and3A_206 : vector<16xi32>
        %and3A_208 = arith.constant -65536 : i32
        %and3A_209 = vector.broadcast %and3A_208 : i32 to vector<16xi32>
        %and3A_210 = arith.andi %add3A_207, %and3A_209 : vector<16xi32>
        %bitcast3A_211 = vector.bitcast %and3A_210 : vector<16xi32> to vector<16xf32>
        %swap3A_212 = arith.index_cast %add3A_198 : i32 to index
        %swap3A_213 = tpu.vector_load %arg8[%swap3A_212] {strides = array<i32>} : memref<16384xf32, #tpu.memory_space<vmem>>, vector<16xf32>,
        tpu.vector_store %arg8[%swap3A_212], %bitcast3A_211 {strides = array<i32>} : memref<16384xf32, #tpu.memory_space<vmem>>, vector<16xf32>,
        %bitcast3A_214 = vector.bitcast %gather3A_189 : vector<16xf32> to vector<16xi32>
        %add3A_215 = arith.constant 32767 : i32
        %add3A_216 = vector.broadcast %add3A_215 : i32 to vector<16xi32>
        %add3A_217 = arith.addi %bitcast3A_214, %add3A_216 : vector<16xi32>
        %shift_right_arithmetic3A_218 = arith.constant 16 : i32
        %shift_right_arithmetic3A_219 = vector.broadcast %shift_right_arithmetic3A_218 : i32 to vector<16xi32>
        %shift_right_arithmetic3A_220 = arith.shrsi %bitcast3A_214, %shift_right_arithmetic3A_219 : vector<16xi32>
        %and3A_221 = arith.constant 1 : i32
        %and3A_222 = vector.broadcast %and3A_221 : i32 to vector<16xi32>
        %and3A_223 = arith.andi %shift_right_arithmetic3A_220, %and3A_222 : vector<16xi32>
        %add3A_224 = arith.addi %add3A_217, %and3A_223 : vector<16xi32>
        %and3A_225 = arith.constant -65536 : i32
        %and3A_226 = vector.broadcast %and3A_225 : i32 to vector<16xi32>
        %and3A_227 = arith.andi %add3A_224, %and3A_226 : vector<16xi32>
        %bitcast3A_228 = vector.bitcast %and3A_227 : vector<16xi32> to vector<16xf32>
        %swap3A_229 = arith.index_cast %add3A_198 : i32 to index
        %swap3A_230 = tpu.vector_load %arg9[%swap3A_229] {strides = array<i32>} : memref<16384xf32, #tpu.memory_space<vmem>>, vector<16xf32>,
        tpu.vector_store %arg9[%swap3A_229], %bitcast3A_228 {strides = array<i32>} : memref<16384xf32, #tpu.memory_space<vmem>>, vector<16xf32>,
        %bitcast3A_231 = vector.bitcast %gather3A_193 : vector<16xf32> to vector<16xi32>
        %add3A_232 = arith.constant 32767 : i32
        %add3A_233 = vector.broadcast %add3A_232 : i32 to vector<16xi32>
        %add3A_234 = arith.addi %bitcast3A_231, %add3A_233 : vector<16xi32>
        %shift_right_arithmetic3A_235 = arith.constant 16 : i32
        %shift_right_arithmetic3A_236 = vector.broadcast %shift_right_arithmetic3A_235 : i32 to vector<16xi32>
        %shift_right_arithmetic3A_237 = arith.shrsi %bitcast3A_231, %shift_right_arithmetic3A_236 : vector<16xi32>
        %and3A_238 = arith.constant 1 : i32
        %and3A_239 = vector.broadcast %and3A_238 : i32 to vector<16xi32>
        %and3A_240 = arith.andi %shift_right_arithmetic3A_237, %and3A_239 : vector<16xi32>
        %add3A_241 = arith.addi %add3A_234, %and3A_240 : vector<16xi32>
        %and3A_242 = arith.constant -65536 : i32
        %and3A_243 = vector.broadcast %and3A_242 : i32 to vector<16xi32>
        %and3A_244 = arith.andi %add3A_241, %and3A_243 : vector<16xi32>
        %bitcast3A_245 = vector.bitcast %and3A_244 : vector<16xi32> to vector<16xf32>
        %swap3A_246 = arith.index_cast %add3A_198 : i32 to index
        %swap3A_247 = tpu.vector_load %arg10[%swap3A_246] {strides = array<i32>} : memref<16384xf32, #tpu.memory_space<vmem>>, vector<16xf32>,
        tpu.vector_store %arg10[%swap3A_246], %bitcast3A_245 {strides = array<i32>} : memref<16384xf32, #tpu.memory_space<vmem>>, vector<16xf32>,
        %mul3A_248 = arith.mulf %gather3A_185, %gather3A_185 : vector<16xf32>
        %mul3A_249 = arith.mulf %gather3A_193, %gather3A_193 : vector<16xf32>
        %add3A_250 = arith.addf %mul3A_248, %mul3A_249 : vector<16xf32>
        %mul3A_251 = arith.mulf %gather3A_189, %gather3A_189 : vector<16xf32>
        %add3A_252 = arith.addf %add3A_250, %mul3A_251 : vector<16xf32>
        %swap3A_253 = arith.index_cast %add3A_198 : i32 to index
        %swap3A_254 = tpu.vector_load %arg11[%swap3A_253] {strides = array<i32>} : memref<16384xf32, #tpu.memory_space<vmem>>, vector<16xf32>,
        tpu.vector_store %arg11[%swap3A_253], %add3A_252 {strides = array<i32>} : memref<16384xf32, #tpu.memory_space<vmem>>, vector<16xf32>,
      }
      %scan3A_179 = arith.constant 64 : i32
    }
    %scan3A_41 = arith.constant 16 : i32
    %scan3A_42 = arith.constant 0 : i32
    %scan3A_43 = arith.constant 0 : i32
    %scan3A_44 = arith.constant 512 : i32
    %scan3A_45 = arith.addi %scan3A_43, %scan3A_44 : i32
    %scan3A_46 = arith.constant 1 : i32
    %scan3A_47 = scf.for %scan3A_166 = %scan3A_43 to %scan3A_45 step %scan3A_46 iter_args(%scan3A_167 = %scan3A_42) -> (i32)  : i32 {
      %mul3A_168 = arith.constant 3 : i32
      %mul3A_169 = arith.muli %scan3A_166, %mul3A_168 : i32
      %broadcast_in_dim3A_170 = vector.broadcast %mul3A_169 : i32 to vector<16xi32>
      %gather3A_171 = tpu.vector_load_idx %arg13[%broadcast_in_dim3A_170] : memref<1536xf32, #tpu.memory_space<vmem>>[vector<16xi32>], vector<16xf32>,
      %add3A_172 = arith.constant 1 : i32
      %add3A_173 = arith.addi %mul3A_169, %add3A_172 : i32
      %broadcast_in_dim3A_174 = vector.broadcast %add3A_173 : i32 to vector<16xi32>
      %gather3A_175 = tpu.vector_load_idx %arg13[%broadcast_in_dim3A_174] : memref<1536xf32, #tpu.memory_space<vmem>>[vector<16xi32>], vector<16xf32>,
      %add3A_176 = arith.constant 2 : i32
      %add3A_177 = arith.addi %mul3A_169, %add3A_176 : i32
      %broadcast_in_dim3A_178 = vector.broadcast %add3A_177 : i32 to vector<16xi32>
      %gather3A_179 = tpu.vector_load_idx %arg13[%broadcast_in_dim3A_178] : memref<1536xf32, #tpu.memory_space<vmem>>[vector<16xi32>], vector<16xf32>,
      %mul3A_180 = arith.mulf %gather3A_171, %gather3A_171 : vector<16xf32>
      %mul3A_181 = arith.mulf %gather3A_179, %gather3A_179 : vector<16xf32>
      %add3A_182 = arith.addf %mul3A_180, %mul3A_181 : vector<16xf32>
      %mul3A_183 = arith.mulf %gather3A_175, %gather3A_175 : vector<16xf32>
      %add3A_184 = arith.addf %add3A_182, %mul3A_183 : vector<16xf32>
      %bitcast3A = vector.bitcast %gather3A_171 : vector<16xf32> to vector<16xi32>
      %add3A_185 = arith.constant 32767 : i32
      %add3A_186 = vector.broadcast %add3A_185 : i32 to vector<16xi32>
      %add3A_187 = arith.addi %bitcast3A, %add3A_186 : vector<16xi32>
      %shift_right_arithmetic3A = arith.constant 16 : i32
      %shift_right_arithmetic3A_188 = vector.broadcast %shift_right_arithmetic3A : i32 to vector<16xi32>
      %shift_right_arithmetic3A_189 = arith.shrsi %bitcast3A, %shift_right_arithmetic3A_188 : vector<16xi32>
      %and3A_190 = arith.constant 1 : i32
      %and3A_191 = vector.broadcast %and3A_190 : i32 to vector<16xi32>
      %and3A_192 = arith.andi %shift_right_arithmetic3A_189, %and3A_191 : vector<16xi32>
      %add3A_193 = arith.addi %add3A_187, %and3A_192 : vector<16xi32>
      %and3A_194 = arith.constant -65536 : i32
      %and3A_195 = vector.broadcast %and3A_194 : i32 to vector<16xi32>
      %and3A_196 = arith.andi %add3A_193, %and3A_195 : vector<16xi32>
      %bitcast3A_197 = vector.bitcast %and3A_196 : vector<16xi32> to vector<16xf32>
      %bitcast3A_198 = vector.bitcast %gather3A_175 : vector<16xf32> to vector<16xi32>
      %add3A_199 = arith.constant 32767 : i32
      %add3A_200 = vector.broadcast %add3A_199 : i32 to vector<16xi32>
      %add3A_201 = arith.addi %bitcast3A_198, %add3A_200 : vector<16xi32>
      %shift_right_arithmetic3A_202 = arith.constant 16 : i32
      %shift_right_arithmetic3A_203 = vector.broadcast %shift_right_arithmetic3A_202 : i32 to vector<16xi32>
      %shift_right_arithmetic3A_204 = arith.shrsi %bitcast3A_198, %shift_right_arithmetic3A_203 : vector<16xi32>
      %and3A_205 = arith.constant 1 : i32
      %and3A_206 = vector.broadcast %and3A_205 : i32 to vector<16xi32>
      %and3A_207 = arith.andi %shift_right_arithmetic3A_204, %and3A_206 : vector<16xi32>
      %add3A_208 = arith.addi %add3A_201, %and3A_207 : vector<16xi32>
      %and3A_209 = arith.constant -65536 : i32
      %and3A_210 = vector.broadcast %and3A_209 : i32 to vector<16xi32>
      %and3A_211 = arith.andi %add3A_208, %and3A_210 : vector<16xi32>
      %bitcast3A_212 = vector.bitcast %and3A_211 : vector<16xi32> to vector<16xf32>
      %bitcast3A_213 = vector.bitcast %gather3A_179 : vector<16xf32> to vector<16xi32>
      %add3A_214 = arith.constant 32767 : i32
      %add3A_215 = vector.broadcast %add3A_214 : i32 to vector<16xi32>
      %add3A_216 = arith.addi %bitcast3A_213, %add3A_215 : vector<16xi32>
      %shift_right_arithmetic3A_217 = arith.constant 16 : i32
      %shift_right_arithmetic3A_218 = vector.broadcast %shift_right_arithmetic3A_217 : i32 to vector<16xi32>
      %shift_right_arithmetic3A_219 = arith.shrsi %bitcast3A_213, %shift_right_arithmetic3A_218 : vector<16xi32>
      %and3A_220 = arith.constant 1 : i32
      %and3A_221 = vector.broadcast %and3A_220 : i32 to vector<16xi32>
      %and3A_222 = arith.andi %shift_right_arithmetic3A_219, %and3A_221 : vector<16xi32>
      %add3A_223 = arith.addi %add3A_216, %and3A_222 : vector<16xi32>
      %and3A_224 = arith.constant -65536 : i32
      %and3A_225 = vector.broadcast %and3A_224 : i32 to vector<16xi32>
      %and3A_226 = arith.andi %add3A_223, %and3A_225 : vector<16xi32>
      %bitcast3A_227 = vector.bitcast %and3A_226 : vector<16xi32> to vector<16xf32>
      %while3A = arith.constant 0 : i32
      %while3A_228 = arith.constant 0 : i32
      %while3A_229:2 = scf.while (%while3A_317 = %while3A, %while3A_318 = %while3A_228) : (i32, i32) -> (i32, i32) {
        %lt3A_319 = arith.constant 32 : i32
        %lt3A_320 = arith.cmpi slt, %while3A_318, %lt3A_319 : i32
        %lt3A_321 = arith.constant 16384 : i32
        %lt3A_322 = arith.cmpi slt, %while3A_317, %lt3A_321 : i32
        %and3A_323 = arith.andi %lt3A_320, %lt3A_322 : i1
        scf.condition(%and3A_323) %while3A_317, %while3A_318 : i32, i32
      } do {
      ^bb0(%while3A_317: i32, %while3A_318: i32):
        %add3A_319 = arith.constant 0 : i32
        %add3A_320 = arith.addi %while3A_317, %add3A_319 : i32
        %get3A_321 = arith.index_cast %add3A_320 : i32 to index
        %get3A_322 = tpu.vector_load %arg8[%get3A_321] {strides = array<i32>} : memref<16384xf32, #tpu.memory_space<vmem>>, vector<16xf32>,
        %get3A_323 = arith.index_cast %add3A_320 : i32 to index
        %get3A_324 = tpu.vector_load %arg9[%get3A_323] {strides = array<i32>} : memref<16384xf32, #tpu.memory_space<vmem>>, vector<16xf32>,
        %get3A_325 = arith.index_cast %add3A_320 : i32 to index
        %get3A_326 = tpu.vector_load %arg10[%get3A_325] {strides = array<i32>} : memref<16384xf32, #tpu.memory_space<vmem>>, vector<16xf32>,
        %get3A_327 = arith.index_cast %add3A_320 : i32 to index
        %get3A_328 = tpu.vector_load %arg11[%get3A_327] {strides = array<i32>} : memref<16384xf32, #tpu.memory_space<vmem>>, vector<16xf32>,
        %mul3A_329 = arith.mulf %bitcast3A_197, %get3A_322 : vector<16xf32>
        %mul3A_330 = arith.mulf %bitcast3A_227, %get3A_326 : vector<16xf32>
        %add3A_331 = arith.addf %mul3A_329, %mul3A_330 : vector<16xf32>
        %mul3A_332 = arith.mulf %bitcast3A_212, %get3A_324 : vector<16xf32>
        %add3A_333 = arith.addf %add3A_331, %mul3A_332 : vector<16xf32>
        %add3A_334 = arith.addf %add3A_184, %get3A_328 : vector<16xf32>
        %mul3A_335 = arith.constant 2.000000e+00 : f32
        %mul3A_336 = vector.broadcast %mul3A_335 : f32 to vector<16xf32>
        %mul3A_337 = arith.mulf %mul3A_336, %add3A_333 : vector<16xf32>
        %sub3A_338 = arith.subf %add3A_334, %mul3A_337 : vector<16xf32>
        %lt3A_339 = arith.constant 4.000000e-02 : f32
        %lt3A_340 = vector.broadcast %lt3A_339 : f32 to vector<16xf32>
        %lt3A_341 = arith.cmpf olt, %sub3A_338, %lt3A_340 : vector<16xf32>
        %broadcast_in_dim3A_342 = vector.broadcast %add3A_320 : i32 to vector<16xi32>
        %add3A_343 = arith.addi %broadcast_in_dim3A_342, %iota3A : vector<16xi32>
        %swap3A_344 = arith.index_cast %while3A_318 : i32 to index
        %swap3A_345 = tpu.vector_load %arg15[%swap3A_344] masked %lt3A_341 {strides = array<i32>} : memref<128xi32, #tpu.memory_space<vmem>>, vector<16xi32>, vector<16xi1>
        tpu.vector_store %arg15[%swap3A_344], %add3A_343 masked %lt3A_341 {strides = array<i32>} : memref<128xi32, #tpu.memory_space<vmem>>, vector<16xi32>, vector<16xi1>
        %all_reduce_population_count3A = tpu.all_reduce %lt3A_341 {dim = 0 : i64, kind = #tpu.reduction_kind<sum>} : vector<16xi1> -> vector<16xi32>
        %slice3A_346 = vector.extract_strided_slice %all_reduce_population_count3A {offsets = [0], sizes = [1], strides = [1]} : vector<16xi32> to vector<1xi32>
        %squeeze3A_347 = vector.extract %slice3A_346[0] : i32 from vector<1xi32>
        %add3A_348 = arith.addi %while3A_318, %squeeze3A_347 : i32
        %add3A_349 = arith.constant 16 : i32
        %add3A_350 = arith.addi %while3A_317, %add3A_349 : i32
        %get3A_351 = arith.index_cast %add3A_350 : i32 to index
        %get3A_352 = tpu.vector_load %arg8[%get3A_351] {strides = array<i32>} : memref<16384xf32, #tpu.memory_space<vmem>>, vector<16xf32>,
        %get3A_353 = arith.index_cast %add3A_350 : i32 to index
        %get3A_354 = tpu.vector_load %arg9[%get3A_353] {strides = array<i32>} : memref<16384xf32, #tpu.memory_space<vmem>>, vector<16xf32>,
        %get3A_355 = arith.index_cast %add3A_350 : i32 to index
        %get3A_356 = tpu.vector_load %arg10[%get3A_355] {strides = array<i32>} : memref<16384xf32, #tpu.memory_space<vmem>>, vector<16xf32>,
        %get3A_357 = arith.index_cast %add3A_350 : i32 to index
        %get3A_358 = tpu.vector_load %arg11[%get3A_357] {strides = array<i32>} : memref<16384xf32, #tpu.memory_space<vmem>>, vector<16xf32>,
        %mul3A_359 = arith.mulf %bitcast3A_197, %get3A_352 : vector<16xf32>
        %mul3A_360 = arith.mulf %bitcast3A_227, %get3A_356 : vector<16xf32>
        %add3A_361 = arith.addf %mul3A_359, %mul3A_360 : vector<16xf32>
        %mul3A_362 = arith.mulf %bitcast3A_212, %get3A_354 : vector<16xf32>
        %add3A_363 = arith.addf %add3A_361, %mul3A_362 : vector<16xf32>
        %add3A_364 = arith.addf %add3A_184, %get3A_358 : vector<16xf32>
        %mul3A_365 = arith.constant 2.000000e+00 : f32
        %mul3A_366 = vector.broadcast %mul3A_365 : f32 to vector<16xf32>
        %mul3A_367 = arith.mulf %mul3A_366, %add3A_363 : vector<16xf32>
        %sub3A_368 = arith.subf %add3A_364, %mul3A_367 : vector<16xf32>
        %lt3A_369 = arith.constant 4.000000e-02 : f32
        %lt3A_370 = vector.broadcast %lt3A_369 : f32 to vector<16xf32>
        %lt3A_371 = arith.cmpf olt, %sub3A_368, %lt3A_370 : vector<16xf32>
        %broadcast_in_dim3A_372 = vector.broadcast %add3A_350 : i32 to vector<16xi32>
        %add3A_373 = arith.addi %broadcast_in_dim3A_372, %iota3A : vector<16xi32>
        %swap3A_374 = arith.index_cast %add3A_348 : i32 to index
        %swap3A_375 = tpu.vector_load %arg15[%swap3A_374] masked %lt3A_371 {strides = array<i32>} : memref<128xi32, #tpu.memory_space<vmem>>, vector<16xi32>, vector<16xi1>
        tpu.vector_store %arg15[%swap3A_374], %add3A_373 masked %lt3A_371 {strides = array<i32>} : memref<128xi32, #tpu.memory_space<vmem>>, vector<16xi32>, vector<16xi1>
        %all_reduce_population_count3A_376 = tpu.all_reduce %lt3A_371 {dim = 0 : i64, kind = #tpu.reduction_kind<sum>} : vector<16xi1> -> vector<16xi32>
        %slice3A_377 = vector.extract_strided_slice %all_reduce_population_count3A_376 {offsets = [0], sizes = [1], strides = [1]} : vector<16xi32> to vector<1xi32>
        %squeeze3A_378 = vector.extract %slice3A_377[0] : i32 from vector<1xi32>
        %add3A_379 = arith.addi %add3A_348, %squeeze3A_378 : i32
        %add3A_380 = arith.constant 32 : i32
        %add3A_381 = arith.addi %while3A_317, %add3A_380 : i32
        %get3A_382 = arith.index_cast %add3A_381 : i32 to index
        %get3A_383 = tpu.vector_load %arg8[%get3A_382] {strides = array<i32>} : memref<16384xf32, #tpu.memory_space<vmem>>, vector<16xf32>,
        %get3A_384 = arith.index_cast %add3A_381 : i32 to index
        %get3A_385 = tpu.vector_load %arg9[%get3A_384] {strides = array<i32>} : memref<16384xf32, #tpu.memory_space<vmem>>, vector<16xf32>,
        %get3A_386 = arith.index_cast %add3A_381 : i32 to index
        %get3A_387 = tpu.vector_load %arg10[%get3A_386] {strides = array<i32>} : memref<16384xf32, #tpu.memory_space<vmem>>, vector<16xf32>,
        %get3A_388 = arith.index_cast %add3A_381 : i32 to index
        %get3A_389 = tpu.vector_load %arg11[%get3A_388] {strides = array<i32>} : memref<16384xf32, #tpu.memory_space<vmem>>, vector<16xf32>,
        %mul3A_390 = arith.mulf %bitcast3A_197, %get3A_383 : vector<16xf32>
        %mul3A_391 = arith.mulf %bitcast3A_227, %get3A_387 : vector<16xf32>
        %add3A_392 = arith.addf %mul3A_390, %mul3A_391 : vector<16xf32>
        %mul3A_393 = arith.mulf %bitcast3A_212, %get3A_385 : vector<16xf32>
        %add3A_394 = arith.addf %add3A_392, %mul3A_393 : vector<16xf32>
        %add3A_395 = arith.addf %add3A_184, %get3A_389 : vector<16xf32>
        %mul3A_396 = arith.constant 2.000000e+00 : f32
        %mul3A_397 = vector.broadcast %mul3A_396 : f32 to vector<16xf32>
        %mul3A_398 = arith.mulf %mul3A_397, %add3A_394 : vector<16xf32>
        %sub3A_399 = arith.subf %add3A_395, %mul3A_398 : vector<16xf32>
        %lt3A_400 = arith.constant 4.000000e-02 : f32
        %lt3A_401 = vector.broadcast %lt3A_400 : f32 to vector<16xf32>
        %lt3A_402 = arith.cmpf olt, %sub3A_399, %lt3A_401 : vector<16xf32>
        %broadcast_in_dim3A_403 = vector.broadcast %add3A_381 : i32 to vector<16xi32>
        %add3A_404 = arith.addi %broadcast_in_dim3A_403, %iota3A : vector<16xi32>
        %swap3A_405 = arith.index_cast %add3A_379 : i32 to index
        %swap3A_406 = tpu.vector_load %arg15[%swap3A_405] masked %lt3A_402 {strides = array<i32>} : memref<128xi32, #tpu.memory_space<vmem>>, vector<16xi32>, vector<16xi1>
        tpu.vector_store %arg15[%swap3A_405], %add3A_404 masked %lt3A_402 {strides = array<i32>} : memref<128xi32, #tpu.memory_space<vmem>>, vector<16xi32>, vector<16xi1>
        %all_reduce_population_count3A_407 = tpu.all_reduce %lt3A_402 {dim = 0 : i64, kind = #tpu.reduction_kind<sum>} : vector<16xi1> -> vector<16xi32>
        %slice3A_408 = vector.extract_strided_slice %all_reduce_population_count3A_407 {offsets = [0], sizes = [1], strides = [1]} : vector<16xi32> to vector<1xi32>
        %squeeze3A_409 = vector.extract %slice3A_408[0] : i32 from vector<1xi32>
        %add3A_410 = arith.addi %add3A_379, %squeeze3A_409 : i32
        %add3A_411 = arith.constant 48 : i32
        %add3A_412 = arith.addi %while3A_317, %add3A_411 : i32
        %get3A_413 = arith.index_cast %add3A_412 : i32 to index
        %get3A_414 = tpu.vector_load %arg8[%get3A_413] {strides = array<i32>} : memref<16384xf32, #tpu.memory_space<vmem>>, vector<16xf32>,
        %get3A_415 = arith.index_cast %add3A_412 : i32 to index
        %get3A_416 = tpu.vector_load %arg9[%get3A_415] {strides = array<i32>} : memref<16384xf32, #tpu.memory_space<vmem>>, vector<16xf32>,
        %get3A_417 = arith.index_cast %add3A_412 : i32 to index
        %get3A_418 = tpu.vector_load %arg10[%get3A_417] {strides = array<i32>} : memref<16384xf32, #tpu.memory_space<vmem>>, vector<16xf32>,
        %get3A_419 = arith.index_cast %add3A_412 : i32 to index
        %get3A_420 = tpu.vector_load %arg11[%get3A_419] {strides = array<i32>} : memref<16384xf32, #tpu.memory_space<vmem>>, vector<16xf32>,
        %mul3A_421 = arith.mulf %bitcast3A_197, %get3A_414 : vector<16xf32>
        %mul3A_422 = arith.mulf %bitcast3A_227, %get3A_418 : vector<16xf32>
        %add3A_423 = arith.addf %mul3A_421, %mul3A_422 : vector<16xf32>
        %mul3A_424 = arith.mulf %bitcast3A_212, %get3A_416 : vector<16xf32>
        %add3A_425 = arith.addf %add3A_423, %mul3A_424 : vector<16xf32>
        %add3A_426 = arith.addf %add3A_184, %get3A_420 : vector<16xf32>
        %mul3A_427 = arith.constant 2.000000e+00 : f32
        %mul3A_428 = vector.broadcast %mul3A_427 : f32 to vector<16xf32>
        %mul3A_429 = arith.mulf %mul3A_428, %add3A_425 : vector<16xf32>
        %sub3A_430 = arith.subf %add3A_426, %mul3A_429 : vector<16xf32>
        %lt3A_431 = arith.constant 4.000000e-02 : f32
        %lt3A_432 = vector.broadcast %lt3A_431 : f32 to vector<16xf32>
        %lt3A_433 = arith.cmpf olt, %sub3A_430, %lt3A_432 : vector<16xf32>
        %broadcast_in_dim3A_434 = vector.broadcast %add3A_412 : i32 to vector<16xi32>
        %add3A_435 = arith.addi %broadcast_in_dim3A_434, %iota3A : vector<16xi32>
        %swap3A_436 = arith.index_cast %add3A_410 : i32 to index
        %swap3A_437 = tpu.vector_load %arg15[%swap3A_436] masked %lt3A_433 {strides = array<i32>} : memref<128xi32, #tpu.memory_space<vmem>>, vector<16xi32>, vector<16xi1>
        tpu.vector_store %arg15[%swap3A_436], %add3A_435 masked %lt3A_433 {strides = array<i32>} : memref<128xi32, #tpu.memory_space<vmem>>, vector<16xi32>, vector<16xi1>
        %all_reduce_population_count3A_438 = tpu.all_reduce %lt3A_433 {dim = 0 : i64, kind = #tpu.reduction_kind<sum>} : vector<16xi1> -> vector<16xi32>
        %slice3A_439 = vector.extract_strided_slice %all_reduce_population_count3A_438 {offsets = [0], sizes = [1], strides = [1]} : vector<16xi32> to vector<1xi32>
        %squeeze3A_440 = vector.extract %slice3A_439[0] : i32 from vector<1xi32>
        %add3A_441 = arith.addi %add3A_410, %squeeze3A_440 : i32
        %add3A_442 = arith.constant 64 : i32
        %add3A_443 = arith.addi %while3A_317, %add3A_442 : i32
        scf.yield %add3A_443, %add3A_441 : i32, i32
      }
      %min3A = arith.constant 32 : i32
      %min3A_230 = arith.minsi %while3A_229#1, %min3A : i32
      %broadcast_in_dim3A_231 = vector.broadcast %min3A_230 : i32 to vector<16xi32>
      %get3A_232 = arith.constant 0 : index
      %get3A_233 = tpu.vector_load %arg15[%get3A_232] {strides = array<i32>} : memref<128xi32, #tpu.memory_space<vmem>>, vector<16xi32>,
      %gt3A_234 = arith.constant 0 : i32
      %gt3A_235 = vector.broadcast %gt3A_234 : i32 to vector<16xi32>
      %gt3A_236 = arith.cmpi sgt, %broadcast_in_dim3A_231, %gt3A_235 : vector<16xi32>
      %slice3A_237 = vector.extract_strided_slice %get3A_233 {offsets = [0], sizes = [1], strides = [1]} : vector<16xi32> to vector<1xi32>
      %squeeze3A_238 = vector.extract %slice3A_237[0] : i32 from vector<1xi32>
      %broadcast_in_dim3A_239 = vector.broadcast %squeeze3A_238 : i32 to vector<16xi32>
      %jit3A_240 = arith.constant 0 : i32
      %broadcast_in_dim3A_241 = vector.broadcast %jit3A_240 : i32 to vector<16xi32>
      %select_n3A_242 = arith.select %gt3A_236, %broadcast_in_dim3A_239, %broadcast_in_dim3A_241 : vector<16xi1>, vector<16xi32>
      %lt3A_243 = arith.cmpi slt, %iota3A, %broadcast_in_dim3A_231 : vector<16xi32>
      %select_n3A_244 = arith.select %lt3A_243, %get3A_233, %select_n3A_242 : vector<16xi1>, vector<16xi32>
      %add3A_245 = arith.constant 16 : i32
      %add3A_246 = vector.broadcast %add3A_245 : i32 to vector<16xi32>
      %add3A_247 = arith.addi %iota3A, %add3A_246 : vector<16xi32>
      %lt3A_248 = arith.cmpi slt, %add3A_247, %broadcast_in_dim3A_231 : vector<16xi32>
      %get3A_249 = arith.constant 16 : index
      %get3A_250 = tpu.vector_load %arg15[%get3A_249] {strides = array<i32>} : memref<128xi32, #tpu.memory_space<vmem>>, vector<16xi32>,
      %select_n3A_251 = arith.select %lt3A_248, %get3A_250, %select_n3A_242 : vector<16xi1>, vector<16xi32>
      %jit3A_252 = arith.constant 64 : i32
      %eq3A = arith.constant 0 : i32
      %eq3A_253 = arith.cmpi eq, %jit3A_252, %eq3A : i32
      %jit3A_254 = arith.constant 1 : i32
      %select_n3A_255 = arith.select %eq3A_253, %jit3A_254, %jit3A_252 : i32
      %rem3A_256 = arith.remsi %scan3A_166, %select_n3A_255 : i32
      %ne3A_257 = arith.constant 0 : i32
      %ne3A_258 = arith.cmpi ne, %rem3A_256, %ne3A_257 : i32
      %lt3A_259 = arith.constant 0 : i32
      %lt3A_260 = arith.cmpi slt, %rem3A_256, %lt3A_259 : i32
      %lt3A_261 = arith.constant 0 : i32
      %lt3A_262 = arith.cmpi slt, %select_n3A_255, %lt3A_261 : i32
      %ne3A_263 = arith.xori %lt3A_260, %lt3A_262 : i1
      %and3A_264 = arith.andi %ne3A_263, %ne3A_258 : i1
      %add3A_265 = arith.addi %rem3A_256, %select_n3A_255 : i32
      %select_n3A_266 = arith.select %and3A_264, %add3A_265, %rem3A_256 : i32
      %add3A_267 = arith.addi %select_n3A_244, %broadcast_in_dim3A_33 : vector<16xi32>
      %mul3A_268 = arith.constant 32 : i32
      %mul3A_269 = arith.muli %select_n3A_266, %mul3A_268 : i32
      %swap3A_270 = arith.index_cast %mul3A_269 : i32 to index
      %swap3A_271 = tpu.vector_load %arg19[%swap3A_270] {strides = array<i32>} : memref<2048xi32, #tpu.memory_space<vmem>>, vector<16xi32>,
      tpu.vector_store %arg19[%swap3A_270], %add3A_267 {strides = array<i32>} : memref<2048xi32, #tpu.memory_space<vmem>>, vector<16xi32>,
      %add3A_272 = arith.addi %select_n3A_251, %broadcast_in_dim3A_33 : vector<16xi32>
      %mul3A_273 = arith.constant 32 : i32
      %mul3A_274 = arith.muli %select_n3A_266, %mul3A_273 : i32
      %add3A_275 = arith.constant 16 : i32
      %add3A_276 = arith.addi %mul3A_274, %add3A_275 : i32
      %swap3A_277 = arith.index_cast %add3A_276 : i32 to index
      %swap3A_278 = tpu.vector_load %arg19[%swap3A_277] {strides = array<i32>} : memref<2048xi32, #tpu.memory_space<vmem>>, vector<16xi32>,
      tpu.vector_store %arg19[%swap3A_277], %add3A_272 {strides = array<i32>} : memref<2048xi32, #tpu.memory_space<vmem>>, vector<16xi32>,
      %eq3A_279 = arith.constant 63 : i32
      %eq3A_280 = arith.cmpi eq, %select_n3A_266, %eq3A_279 : i32
      %convert_element_type3A = arith.extui %eq3A_280 : i1 to i32
      %cond3A = arith.constant 0 : i32
      %cond3A_281 = arith.cmpi ne, %convert_element_type3A, %cond3A : i32
      scf.if %cond3A_281 {
        %jit3A_317 = arith.constant 64 : i32
        %div3A_318 = arith.divsi %scan3A_166, %jit3A_317 : i32
        %sign3A_319 = arith.constant 0 : i32
        %sign3A_320 = arith.cmpi sgt, %scan3A_166, %sign3A_319 : i32
        %sign3A_321 = arith.extui %sign3A_320 : i1 to i32
        %sign3A_322 = arith.constant 0 : i32
        %sign3A_323 = arith.cmpi slt, %scan3A_166, %sign3A_322 : i32
        %sign3A_324 = arith.extui %sign3A_323 : i1 to i32
        %sign3A_325 = arith.subi %sign3A_321, %sign3A_324 : i32
        %sign3A_326 = arith.constant 0 : i32
        %sign3A_327 = arith.cmpi sgt, %jit3A_317, %sign3A_326 : i32
        %sign3A_328 = arith.extui %sign3A_327 : i1 to i32
        %sign3A_329 = arith.constant 0 : i32
        %sign3A_330 = arith.cmpi slt, %jit3A_317, %sign3A_329 : i32
        %sign3A_331 = arith.extui %sign3A_330 : i1 to i32
        %sign3A_332 = arith.subi %sign3A_328, %sign3A_331 : i32
        %ne3A_333 = arith.cmpi ne, %sign3A_325, %sign3A_332 : i32
        %rem3A_334 = arith.remsi %scan3A_166, %jit3A_317 : i32
        %ne3A_335 = arith.constant 0 : i32
        %ne3A_336 = arith.cmpi ne, %rem3A_334, %ne3A_335 : i32
        %and3A_337 = arith.andi %ne3A_333, %ne3A_336 : i1
        %sub3A_338 = arith.constant 1 : i32
        %sub3A_339 = arith.subi %div3A_318, %sub3A_338 : i32
        %select_n3A_340 = arith.select %and3A_337, %sub3A_339, %div3A_318 : i32
        %mul3A_341 = arith.constant 64 : i32
        %mul3A_342 = arith.muli %select_n3A_340, %mul3A_341 : i32
        %add3A_343 = arith.addi %mul3A_2, %mul3A_342 : i32
        %mul3A_344 = arith.constant 32 : i32
        %mul3A_345 = arith.muli %add3A_343, %mul3A_344 : i32
        "tpu.region"() ({
          %run_scoped3A = tpu.sem_alloc : memref<!tpu.dma_semaphore, #tpu.memory_space<semaphore_mem>>
          %dma_start3A_346 = tpu.memref_slice %arg7[%mul3A_345] : memref<524288xi32, #tpu.memory_space<hbm>> -> memref<2048xi32, #tpu.memory_space<hbm>>
          %dma_start3A_347 = tpu.memref_slice %arg7[%mul3A_345] : memref<524288xi32, #tpu.memory_space<hbm>> -> memref<2048xi32, #tpu.memory_space<hbm>>
          tpu.enqueue_dma source(%arg19 : memref<2048xi32, #tpu.memory_space<vmem>>) target(%dma_start3A_347 : memref<2048xi32, #tpu.memory_space<hbm>>) target_semaphore(%run_scoped3A : memref<!tpu.dma_semaphore, #tpu.memory_space<semaphore_mem>>)
          %dma_wait3A_348 = tpu.memref_slice %arg7[%mul3A_345] : memref<524288xi32, #tpu.memory_space<hbm>> -> memref<2048xi32, #tpu.memory_space<hbm>>
          %dma_wait3A_349 = tpu.memref_slice %arg7[%mul3A_345] : memref<524288xi32, #tpu.memory_space<hbm>> -> memref<2048xi32, #tpu.memory_space<hbm>>
          tpu.wait_dma2 semaphore(%run_scoped3A : memref<!tpu.dma_semaphore, #tpu.memory_space<semaphore_mem>>) src(%arg19 : memref<2048xi32, #tpu.memory_space<vmem>>) dst(%dma_wait3A_349 : memref<2048xi32, #tpu.memory_space<hbm>>)
          tpu.yield
        }) : () -> ()
      } else {
      }
      %jit3A_282 = arith.constant 2 : i32
      %eq3A_283 = arith.constant 0 : i32
      %eq3A_284 = arith.cmpi eq, %jit3A_282, %eq3A_283 : i32
      %jit3A_285 = arith.constant 1 : i32
      %select_n3A_286 = arith.select %eq3A_284, %jit3A_285, %jit3A_282 : i32
      %rem3A_287 = arith.remsi %scan3A_166, %select_n3A_286 : i32
      %ne3A_288 = arith.constant 0 : i32
      %ne3A_289 = arith.cmpi ne, %rem3A_287, %ne3A_288 : i32
      %lt3A_290 = arith.constant 0 : i32
      %lt3A_291 = arith.cmpi slt, %rem3A_287, %lt3A_290 : i32
      %lt3A_292 = arith.constant 0 : i32
      %lt3A_293 = arith.cmpi slt, %select_n3A_286, %lt3A_292 : i32
      %ne3A_294 = arith.xori %lt3A_291, %lt3A_293 : i1
      %and3A_295 = arith.andi %ne3A_294, %ne3A_289 : i1
      %add3A_296 = arith.addi %rem3A_287, %select_n3A_286 : i32
      %select_n3A_297 = arith.select %and3A_295, %add3A_296, %rem3A_287 : i32
      %mul3A_298 = arith.constant 32 : i32
      %mul3A_299 = arith.muli %select_n3A_297, %mul3A_298 : i32
      %add3A_300 = arith.addi %select_n3A_244, %broadcast_in_dim3A_36 : vector<16xi32>
      %swap3A_301 = arith.index_cast %mul3A_299 : i32 to index
      %swap3A_302 = tpu.vector_load %arg16[%swap3A_301] {strides = array<i32>} : memref<64xi32, #tpu.memory_space<vmem>>, vector<16xi32>,
      tpu.vector_store %arg16[%swap3A_301], %add3A_300 {strides = array<i32>} : memref<64xi32, #tpu.memory_space<vmem>>, vector<16xi32>,
      %add3A_303 = arith.addi %select_n3A_251, %broadcast_in_dim3A_36 : vector<16xi32>
      %add3A_304 = arith.constant 16 : i32
      %add3A_305 = arith.addi %mul3A_299, %add3A_304 : i32
      %swap3A_306 = arith.index_cast %add3A_305 : i32 to index
      %swap3A_307 = tpu.vector_load %arg16[%swap3A_306] {strides = array<i32>} : memref<64xi32, #tpu.memory_space<vmem>>, vector<16xi32>,
      tpu.vector_store %arg16[%swap3A_306], %add3A_303 {strides = array<i32>} : memref<64xi32, #tpu.memory_space<vmem>>, vector<16xi32>,
      %gt3A_308 = arith.constant 0 : i32
      %gt3A_309 = arith.cmpi sgt, %scan3A_166, %gt3A_308 : i32
      %convert_element_type3A_310 = arith.extui %gt3A_309 : i1 to i32
      %cond3A_311 = arith.constant 0 : i32
      %cond3A_312 = arith.cmpi ne, %convert_element_type3A_310, %cond3A_311 : i32
      scf.if %cond3A_312 {
        %jit3A_317 = arith.constant 2 : i32
        %eq3A_318 = arith.constant 0 : i32
        %eq3A_319 = arith.cmpi eq, %jit3A_317, %eq3A_318 : i32
        %jit3A_320 = arith.constant 1 : i32
        %select_n3A_321 = arith.select %eq3A_319, %jit3A_320, %jit3A_317 : i32
        %rem3A_322 = arith.remsi %scan3A_166, %select_n3A_321 : i32
        %ne3A_323 = arith.constant 0 : i32
        %ne3A_324 = arith.cmpi ne, %rem3A_322, %ne3A_323 : i32
        %lt3A_325 = arith.constant 0 : i32
        %lt3A_326 = arith.cmpi slt, %rem3A_322, %lt3A_325 : i32
        %lt3A_327 = arith.constant 0 : i32
        %lt3A_328 = arith.cmpi slt, %select_n3A_321, %lt3A_327 : i32
        %ne3A_329 = arith.xori %lt3A_326, %lt3A_328 : i1
        %and3A_330 = arith.andi %ne3A_329, %ne3A_324 : i1
        %add3A_331 = arith.addi %rem3A_322, %select_n3A_321 : i32
        %select_n3A_332 = arith.select %and3A_330, %add3A_331, %rem3A_322 : i32
        %sub3A_333 = arith.constant 1 : i32
        %sub3A_334 = arith.subi %sub3A_333, %select_n3A_332 : i32
        %mul3A_335 = arith.constant 32 : i32
        %mul3A_336 = arith.muli %sub3A_334, %mul3A_335 : i32
        %dma_wait3A_337 = tpu.memref_slice %arg16[%mul3A_336] : memref<64xi32, #tpu.memory_space<vmem>> -> memref<32xi32, #tpu.memory_space<vmem>>
        %dma_wait3A_338 = arith.constant 0 : i32
        %dma_wait3A_339 = arith.constant 0 : i32
        %dma_wait3A_340 = tpu.memref_slice %arg5[%dma_wait3A_338, %dma_wait3A_339] : memref<65536x80xf32, #tpu.memory_space<hbm>> -> memref<65536x80xf32, #tpu.memory_space<hbm>>
        tpu.wait_indirect_dma semaphore(%arg20 : memref<!tpu.dma_semaphore, #tpu.memory_space<semaphore_mem>>) src(%dma_wait3A_340 : memref<65536x80xf32, #tpu.memory_space<hbm>>) dst(%arg17 : memref<32x80xf32, #tpu.memory_space<vmem>>)
        %gt3A_341 = arith.constant 2 : i32
        %gt3A_342 = arith.cmpi sgt, %scan3A_166, %gt3A_341 : i32
        %convert_element_type3A_343 = arith.extui %gt3A_342 : i1 to i32
        %cond3A_344 = arith.constant 0 : i32
        %cond3A_345 = arith.cmpi ne, %convert_element_type3A_343, %cond3A_344 : i32
        scf.if %cond3A_345 {
          %sub3A_459 = arith.constant 1 : i32
          %sub3A_460 = arith.subi %scan3A_166, %sub3A_459 : i32
          %jit3A_461 = arith.constant 2 : i32
          %eq3A_462 = arith.constant 0 : i32
          %eq3A_463 = arith.cmpi eq, %jit3A_461, %eq3A_462 : i32
          %jit3A_464 = arith.constant 1 : i32
          %select_n3A_465 = arith.select %eq3A_463, %jit3A_464, %jit3A_461 : i32
          %rem3A_466 = arith.remsi %sub3A_460, %select_n3A_465 : i32
          %ne3A_467 = arith.constant 0 : i32
          %ne3A_468 = arith.cmpi ne, %rem3A_466, %ne3A_467 : i32
          %lt3A_469 = arith.constant 0 : i32
          %lt3A_470 = arith.cmpi slt, %rem3A_466, %lt3A_469 : i32
          %lt3A_471 = arith.constant 0 : i32
          %lt3A_472 = arith.cmpi slt, %select_n3A_465, %lt3A_471 : i32
          %ne3A_473 = arith.xori %lt3A_470, %lt3A_472 : i1
          %and3A_474 = arith.andi %ne3A_473, %ne3A_468 : i1
          %add3A_475 = arith.addi %rem3A_466, %select_n3A_465 : i32
          %select_n3A_476 = arith.select %and3A_474, %add3A_475, %rem3A_466 : i32
          %mul3A_477 = arith.constant 2144 : i32
          %mul3A_478 = arith.muli %select_n3A_476, %mul3A_477 : i32
          %add3A_479 = arith.addi %mul3A_2, %scan3A_166 : i32
          %sub3A_480 = arith.constant 1 : i32
          %sub3A_481 = arith.subi %add3A_479, %sub3A_480 : i32
          %dma_wait3A_482 = tpu.memref_slice %arg18[%mul3A_478] : memref<4288xf32, #tpu.memory_space<vmem>> -> memref<2144xf32, #tpu.memory_space<vmem>>
          %dma_wait3A_483 = arith.constant 0 : i32
          %dma_wait3A_484 = tpu.memref_slice %arg6[%sub3A_481, %dma_wait3A_483] : memref<16384x2144xf32, #tpu.memory_space<hbm>> -> memref<1x2144xf32, #tpu.memory_space<hbm>>
          %dma_wait3A_485 = tpu.memref_squeeze %dma_wait3A_484 : memref<1x2144xf32, #tpu.memory_space<hbm>> -> memref<2144xf32, #tpu.memory_space<hbm>>
          %dma_wait3A_486 = arith.constant 0 : i32
          %dma_wait3A_487 = tpu.memref_slice %arg6[%sub3A_481, %dma_wait3A_486] : memref<16384x2144xf32, #tpu.memory_space<hbm>> -> memref<1x2144xf32, #tpu.memory_space<hbm>>
          %dma_wait3A_488 = tpu.memref_squeeze %dma_wait3A_487 : memref<1x2144xf32, #tpu.memory_space<hbm>> -> memref<2144xf32, #tpu.memory_space<hbm>>
          %dma_wait3A_489 = tpu.memref_slice %arg18[%mul3A_478] : memref<4288xf32, #tpu.memory_space<vmem>> -> memref<2144xf32, #tpu.memory_space<vmem>>
          tpu.wait_dma2 semaphore(%arg21 : memref<!tpu.dma_semaphore, #tpu.memory_space<semaphore_mem>>) src(%dma_wait3A_489 : memref<2144xf32, #tpu.memory_space<vmem>>) dst(%dma_wait3A_488 : memref<2144xf32, #tpu.memory_space<hbm>>)
        } else {
        }
        %sub3A_346 = arith.constant 1 : i32
        %sub3A_347 = arith.subi %scan3A_166, %sub3A_346 : i32
        %jit3A_348 = arith.constant 2 : i32
        %eq3A_349 = arith.constant 0 : i32
        %eq3A_350 = arith.cmpi eq, %jit3A_348, %eq3A_349 : i32
        %jit3A_351 = arith.constant 1 : i32
        %select_n3A_352 = arith.select %eq3A_350, %jit3A_351, %jit3A_348 : i32
        %rem3A_353 = arith.remsi %sub3A_347, %select_n3A_352 : i32
        %ne3A_354 = arith.constant 0 : i32
        %ne3A_355 = arith.cmpi ne, %rem3A_353, %ne3A_354 : i32
        %lt3A_356 = arith.constant 0 : i32
        %lt3A_357 = arith.cmpi slt, %rem3A_353, %lt3A_356 : i32
        %lt3A_358 = arith.constant 0 : i32
        %lt3A_359 = arith.cmpi slt, %select_n3A_352, %lt3A_358 : i32
        %ne3A_360 = arith.xori %lt3A_357, %lt3A_359 : i1
        %and3A_361 = arith.andi %ne3A_360, %ne3A_355 : i1
        %add3A_362 = arith.addi %rem3A_353, %select_n3A_352 : i32
        %select_n3A_363 = arith.select %and3A_361, %add3A_362, %rem3A_353 : i32
        %mul3A_364 = arith.constant 2144 : i32
        %mul3A_365 = arith.muli %select_n3A_363, %mul3A_364 : i32
        %add3A_366 = arith.constant 16 : i32
        %add3A_367 = vector.broadcast %add3A_366 : i32 to vector<16xi32>
        %add3A_368 = arith.addi %iota3A, %add3A_367 : vector<16xi32>
        %broadcast_in_dim3A_369 = vector.broadcast %scan3A_167 : i32 to vector<16xi32>
        %gt3A_370 = arith.constant 0 : i32
        %gt3A_371 = vector.broadcast %gt3A_370 : i32 to vector<16xi32>
        %gt3A_372 = arith.cmpi sgt, %broadcast_in_dim3A_369, %gt3A_371 : vector<16xi32>
        %jit3A_373 = arith.constant 1.000000e+00 : f32
        %jit3A_374 = arith.constant 0.000000e+00 : f32
        %broadcast_in_dim3A_375 = vector.broadcast %jit3A_373 : f32 to vector<16xf32>
        %broadcast_in_dim3A_376 = vector.broadcast %jit3A_374 : f32 to vector<16xf32>
        %select_n3A_377 = arith.select %gt3A_372, %broadcast_in_dim3A_375, %broadcast_in_dim3A_376 : vector<16xi1>, vector<16xf32>
        %mul3A_378 = arith.constant 3 : i32
        %mul3A_379 = arith.muli %sub3A_347, %mul3A_378 : i32
        %broadcast_in_dim3A_380 = vector.broadcast %mul3A_379 : i32 to vector<16xi32>
        %gather3A_381 = tpu.vector_load_idx %arg13[%broadcast_in_dim3A_380] : memref<1536xf32, #tpu.memory_space<vmem>>[vector<16xi32>], vector<16xf32>,
        %add3A_382 = arith.constant 1 : i32
        %add3A_383 = arith.addi %mul3A_379, %add3A_382 : i32
        %broadcast_in_dim3A_384 = vector.broadcast %add3A_383 : i32 to vector<16xi32>
        %gather3A_385 = tpu.vector_load_idx %arg13[%broadcast_in_dim3A_384] : memref<1536xf32, #tpu.memory_space<vmem>>[vector<16xi32>], vector<16xf32>,
        %add3A_386 = arith.constant 2 : i32
        %add3A_387 = arith.addi %mul3A_379, %add3A_386 : i32
        %broadcast_in_dim3A_388 = vector.broadcast %add3A_387 : i32 to vector<16xi32>
        %gather3A_389 = tpu.vector_load_idx %arg13[%broadcast_in_dim3A_388] : memref<1536xf32, #tpu.memory_space<vmem>>[vector<16xi32>], vector<16xf32>,
        %broadcast_in_dim3A_390 = arith.constant 0 : i32
        %broadcast_in_dim3A_391 = vector.broadcast %broadcast_in_dim3A_390 : i32 to vector<16xi32>
        %gather3A_392 = tpu.vector_load_idx %arg17[%iota3A, %broadcast_in_dim3A_391] : memref<32x80xf32, #tpu.memory_space<vmem>>[vector<16xi32>, vector<16xi32>], vector<16xf32>,
        %gather3A_393 = tpu.vector_load_idx %arg17[%add3A_368, %broadcast_in_dim3A_391] : memref<32x80xf32, #tpu.memory_space<vmem>>[vector<16xi32>, vector<16xi32>], vector<16xf32>,
        %sub3A_394 = arith.subf %gather3A_392, %gather3A_381 : vector<16xf32>
        %mul3A_395 = arith.mulf %sub3A_394, %select_n3A_377 : vector<16xf32>
        %add3A_396 = arith.constant 0 : i32
        %add3A_397 = arith.addi %mul3A_365, %add3A_396 : i32
        %swap3A_398 = arith.index_cast %add3A_397 : i32 to index
        %swap3A_399 = tpu.vector_load %arg18[%swap3A_398] {strides = array<i32>} : memref<4288xf32, #tpu.memory_space<vmem>>, vector<16xf32>,
        tpu.vector_store %arg18[%swap3A_398], %mul3A_395 {strides = array<i32>} : memref<4288xf32, #tpu.memory_space<vmem>>, vector<16xf32>,
        %sub3A_400 = arith.subf %gather3A_393, %gather3A_381 : vector<16xf32>
        %mul3A_401 = arith.mulf %sub3A_400, %select_n3A_377 : vector<16xf32>
        %add3A_402 = arith.constant 0 : i32
        %add3A_403 = arith.addi %mul3A_365, %add3A_402 : i32
        %add3A_404 = arith.constant 16 : i32
        %add3A_405 = arith.addi %add3A_403, %add3A_404 : i32
        %swap3A_406 = arith.index_cast %add3A_405 : i32 to index
        %swap3A_407 = tpu.vector_load %arg18[%swap3A_406] {strides = array<i32>} : memref<4288xf32, #tpu.memory_space<vmem>>, vector<16xf32>,
        tpu.vector_store %arg18[%swap3A_406], %mul3A_401 {strides = array<i32>} : memref<4288xf32, #tpu.memory_space<vmem>>, vector<16xf32>,
        %broadcast_in_dim3A_408 = arith.constant 1 : i32
        %broadcast_in_dim3A_409 = vector.broadcast %broadcast_in_dim3A_408 : i32 to vector<16xi32>
        %gather3A_410 = tpu.vector_load_idx %arg17[%iota3A, %broadcast_in_dim3A_409] : memref<32x80xf32, #tpu.memory_space<vmem>>[vector<16xi32>, vector<16xi32>], vector<16xf32>,
        %gather3A_411 = tpu.vector_load_idx %arg17[%add3A_368, %broadcast_in_dim3A_409] : memref<32x80xf32, #tpu.memory_space<vmem>>[vector<16xi32>, vector<16xi32>], vector<16xf32>,
        %sub3A_412 = arith.subf %gather3A_410, %gather3A_385 : vector<16xf32>
        %mul3A_413 = arith.mulf %sub3A_412, %select_n3A_377 : vector<16xf32>
        %add3A_414 = arith.constant 32 : i32
        %add3A_415 = arith.addi %mul3A_365, %add3A_414 : i32
        %swap3A_416 = arith.index_cast %add3A_415 : i32 to index
        %swap3A_417 = tpu.vector_load %arg18[%swap3A_416] {strides = array<i32>} : memref<4288xf32, #tpu.memory_space<vmem>>, vector<16xf32>,
        tpu.vector_store %arg18[%swap3A_416], %mul3A_413 {strides = array<i32>} : memref<4288xf32, #tpu.memory_space<vmem>>, vector<16xf32>,
        %sub3A_418 = arith.subf %gather3A_411, %gather3A_385 : vector<16xf32>
        %mul3A_419 = arith.mulf %sub3A_418, %select_n3A_377 : vector<16xf32>
        %add3A_420 = arith.constant 32 : i32
        %add3A_421 = arith.addi %mul3A_365, %add3A_420 : i32
        %add3A_422 = arith.constant 16 : i32
        %add3A_423 = arith.addi %add3A_421, %add3A_422 : i32
        %swap3A_424 = arith.index_cast %add3A_423 : i32 to index
        %swap3A_425 = tpu.vector_load %arg18[%swap3A_424] {strides = array<i32>} : memref<4288xf32, #tpu.memory_space<vmem>>, vector<16xf32>,
        tpu.vector_store %arg18[%swap3A_424], %mul3A_419 {strides = array<i32>} : memref<4288xf32, #tpu.memory_space<vmem>>, vector<16xf32>,
        %broadcast_in_dim3A_426 = arith.constant 2 : i32
        %broadcast_in_dim3A_427 = vector.broadcast %broadcast_in_dim3A_426 : i32 to vector<16xi32>
        %gather3A_428 = tpu.vector_load_idx %arg17[%iota3A, %broadcast_in_dim3A_427] : memref<32x80xf32, #tpu.memory_space<vmem>>[vector<16xi32>, vector<16xi32>], vector<16xf32>,
        %gather3A_429 = tpu.vector_load_idx %arg17[%add3A_368, %broadcast_in_dim3A_427] : memref<32x80xf32, #tpu.memory_space<vmem>>[vector<16xi32>, vector<16xi32>], vector<16xf32>,
        %sub3A_430 = arith.subf %gather3A_428, %gather3A_389 : vector<16xf32>
        %mul3A_431 = arith.mulf %sub3A_430, %select_n3A_377 : vector<16xf32>
        %add3A_432 = arith.constant 64 : i32
        %add3A_433 = arith.addi %mul3A_365, %add3A_432 : i32
        %swap3A_434 = arith.index_cast %add3A_433 : i32 to index
        %swap3A_435 = tpu.vector_load %arg18[%swap3A_434] {strides = array<i32>} : memref<4288xf32, #tpu.memory_space<vmem>>, vector<16xf32>,
        tpu.vector_store %arg18[%swap3A_434], %mul3A_431 {strides = array<i32>} : memref<4288xf32, #tpu.memory_space<vmem>>, vector<16xf32>,
        %sub3A_436 = arith.subf %gather3A_429, %gather3A_389 : vector<16xf32>
        %mul3A_437 = arith.mulf %sub3A_436, %select_n3A_377 : vector<16xf32>
        %add3A_438 = arith.constant 64 : i32
        %add3A_439 = arith.addi %mul3A_365, %add3A_438 : i32
        %add3A_440 = arith.constant 16 : i32
        %add3A_441 = arith.addi %add3A_439, %add3A_440 : i32
        %swap3A_442 = arith.index_cast %add3A_441 : i32 to index
        %swap3A_443 = tpu.vector_load %arg18[%swap3A_442] {strides = array<i32>} : memref<4288xf32, #tpu.memory_space<vmem>>, vector<16xf32>,
        tpu.vector_store %arg18[%swap3A_442], %mul3A_437 {strides = array<i32>} : memref<4288xf32, #tpu.memory_space<vmem>>, vector<16xf32>,
        %scan3A_444 = arith.constant 0 : i32
        %scan3A_445 = arith.constant 0 : i32
        %scan3A_446 = arith.constant 32 : i32
        %scan3A_447 = arith.addi %scan3A_445, %scan3A_446 : i32
        %scan3A_448 = arith.constant 1 : i32
        scf.for %scan3A_459 = %scan3A_445 to %scan3A_447 step %scan3A_448  : i32 {
          %mul3A_460 = arith.constant 2 : i32
          %mul3A_461 = arith.muli %mul3A_460, %scan3A_459 : i32
          %add3A_462 = arith.constant 3 : i32
          %add3A_463 = arith.addi %mul3A_461, %add3A_462 : i32
          %broadcast_in_dim3A_464 = vector.broadcast %add3A_463 : i32 to vector<16xi32>
          %add3A_465 = arith.constant 4 : i32
          %add3A_466 = arith.addi %mul3A_461, %add3A_465 : i32
          %broadcast_in_dim3A_467 = vector.broadcast %add3A_466 : i32 to vector<16xi32>
          %gather3A_468 = tpu.vector_load_idx %arg17[%iota3A, %broadcast_in_dim3A_464] : memref<32x80xf32, #tpu.memory_space<vmem>>[vector<16xi32>, vector<16xi32>], vector<16xf32>,
          %gather3A_469 = tpu.vector_load_idx %arg17[%add3A_368, %broadcast_in_dim3A_464] : memref<32x80xf32, #tpu.memory_space<vmem>>[vector<16xi32>, vector<16xi32>], vector<16xf32>,
          %gather3A_470 = tpu.vector_load_idx %arg17[%iota3A, %broadcast_in_dim3A_467] : memref<32x80xf32, #tpu.memory_space<vmem>>[vector<16xi32>, vector<16xi32>], vector<16xf32>,
          %gather3A_471 = tpu.vector_load_idx %arg17[%add3A_368, %broadcast_in_dim3A_467] : memref<32x80xf32, #tpu.memory_space<vmem>>[vector<16xi32>, vector<16xi32>], vector<16xf32>,
          %add3A_472 = arith.constant 3 : i32
          %add3A_473 = arith.addi %add3A_472, %mul3A_461 : i32
          %mul3A_474 = arith.constant 32 : i32
          %mul3A_475 = arith.muli %add3A_473, %mul3A_474 : i32
          %add3A_476 = arith.addi %mul3A_365, %mul3A_475 : i32
          %mul3A_477 = arith.mulf %gather3A_468, %select_n3A_377 : vector<16xf32>
          %swap3A_478 = arith.index_cast %add3A_476 : i32 to index
          %swap3A_479 = tpu.vector_load %arg18[%swap3A_478] {strides = array<i32>} : memref<4288xf32, #tpu.memory_space<vmem>>, vector<16xf32>,
          tpu.vector_store %arg18[%swap3A_478], %mul3A_477 {strides = array<i32>} : memref<4288xf32, #tpu.memory_space<vmem>>, vector<16xf32>,
          %mul3A_480 = arith.mulf %gather3A_469, %select_n3A_377 : vector<16xf32>
          %add3A_481 = arith.constant 16 : i32
          %add3A_482 = arith.addi %add3A_476, %add3A_481 : i32
          %swap3A_483 = arith.index_cast %add3A_482 : i32 to index
          %swap3A_484 = tpu.vector_load %arg18[%swap3A_483] {strides = array<i32>} : memref<4288xf32, #tpu.memory_space<vmem>>, vector<16xf32>,
          tpu.vector_store %arg18[%swap3A_483], %mul3A_480 {strides = array<i32>} : memref<4288xf32, #tpu.memory_space<vmem>>, vector<16xf32>,
          %mul3A_485 = arith.mulf %gather3A_470, %select_n3A_377 : vector<16xf32>
          %add3A_486 = arith.constant 32 : i32
          %add3A_487 = arith.addi %add3A_476, %add3A_486 : i32
          %swap3A_488 = arith.index_cast %add3A_487 : i32 to index
          %swap3A_489 = tpu.vector_load %arg18[%swap3A_488] {strides = array<i32>} : memref<4288xf32, #tpu.memory_space<vmem>>, vector<16xf32>,
          tpu.vector_store %arg18[%swap3A_488], %mul3A_485 {strides = array<i32>} : memref<4288xf32, #tpu.memory_space<vmem>>, vector<16xf32>,
          %mul3A_490 = arith.mulf %gather3A_471, %select_n3A_377 : vector<16xf32>
          %add3A_491 = arith.constant 32 : i32
          %add3A_492 = arith.addi %add3A_476, %add3A_491 : i32
          %add3A_493 = arith.constant 16 : i32
          %add3A_494 = arith.addi %add3A_492, %add3A_493 : i32
          %swap3A_495 = arith.index_cast %add3A_494 : i32 to index
          %swap3A_496 = tpu.vector_load %arg18[%swap3A_495] {strides = array<i32>} : memref<4288xf32, #tpu.memory_space<vmem>>, vector<16xf32>,
          tpu.vector_store %arg18[%swap3A_495], %mul3A_490 {strides = array<i32>} : memref<4288xf32, #tpu.memory_space<vmem>>, vector<16xf32>,
        }
        %scan3A_449 = arith.constant 32 : i32
        %add3A_450 = arith.addi %mul3A_2, %sub3A_347 : i32
        %dma_start3A_451 = tpu.memref_slice %arg18[%mul3A_365] : memref<4288xf32, #tpu.memory_space<vmem>> -> memref<2144xf32, #tpu.memory_space<vmem>>
        %dma_start3A_452 = arith.constant 0 : i32
        %dma_start3A_453 = tpu.memref_slice %arg6[%add3A_450, %dma_start3A_452] : memref<16384x2144xf32, #tpu.memory_space<hbm>> -> memref<1x2144xf32, #tpu.memory_space<hbm>>
        %dma_start3A_454 = tpu.memref_squeeze %dma_start3A_453 : memref<1x2144xf32, #tpu.memory_space<hbm>> -> memref<2144xf32, #tpu.memory_space<hbm>>
        %dma_start3A_455 = arith.constant 0 : i32
        %dma_start3A_456 = tpu.memref_slice %arg6[%add3A_450, %dma_start3A_455] : memref<16384x2144xf32, #tpu.memory_space<hbm>> -> memref<1x2144xf32, #tpu.memory_space<hbm>>
        %dma_start3A_457 = tpu.memref_squeeze %dma_start3A_456 : memref<1x2144xf32, #tpu.memory_space<hbm>> -> memref<2144xf32, #tpu.memory_space<hbm>>
        %dma_start3A_458 = tpu.memref_slice %arg18[%mul3A_365] : memref<4288xf32, #tpu.memory_space<vmem>> -> memref<2144xf32, #tpu.memory_space<vmem>>
        tpu.enqueue_dma source(%dma_start3A_458 : memref<2144xf32, #tpu.memory_space<vmem>>) target(%dma_start3A_457 : memref<2144xf32, #tpu.memory_space<hbm>>) target_semaphore(%arg21 : memref<!tpu.dma_semaphore, #tpu.memory_space<semaphore_mem>>)
      } else {
      }
      %dma_start3A_313 = tpu.memref_slice %arg16[%mul3A_299] : memref<64xi32, #tpu.memory_space<vmem>> -> memref<32xi32, #tpu.memory_space<vmem>>
      %dma_start3A_314 = arith.constant 0 : i32
      %dma_start3A_315 = arith.constant 0 : i32
      %dma_start3A_316 = tpu.memref_slice %arg5[%dma_start3A_314, %dma_start3A_315] : memref<65536x80xf32, #tpu.memory_space<hbm>> -> memref<65536x80xf32, #tpu.memory_space<hbm>>
      tpu.enqueue_indirect_dma source(%dma_start3A_316 : memref<65536x80xf32, #tpu.memory_space<hbm>>) target(%arg17 : memref<32x80xf32, #tpu.memory_space<vmem>>) offsets(%dma_start3A_313 : memref<32xi32, #tpu.memory_space<vmem>>) semaphore(%arg20 : memref<!tpu.dma_semaphore, #tpu.memory_space<semaphore_mem>>)
      scf.yield %min3A_230 : i32
    }
    %scan3A_48 = arith.constant 512 : i32
    %add3A_49 = arith.constant 512 : i32
    %add3A_50 = arith.addi %mul3A_2, %add3A_49 : i32
    %sub3A_51 = arith.constant 1 : i32
    %sub3A_52 = arith.subi %add3A_50, %sub3A_51 : i32
    %dma_wait3A = arith.constant 2144 : i32
    %dma_wait3A_53 = tpu.memref_slice %arg18[%dma_wait3A] : memref<4288xf32, #tpu.memory_space<vmem>> -> memref<2144xf32, #tpu.memory_space<vmem>>
    %dma_wait3A_54 = arith.constant 0 : i32
    %dma_wait3A_55 = tpu.memref_slice %arg6[%sub3A_52, %dma_wait3A_54] : memref<16384x2144xf32, #tpu.memory_space<hbm>> -> memref<1x2144xf32, #tpu.memory_space<hbm>>
    %dma_wait3A_56 = tpu.memref_squeeze %dma_wait3A_55 : memref<1x2144xf32, #tpu.memory_space<hbm>> -> memref<2144xf32, #tpu.memory_space<hbm>>
    %dma_wait3A_57 = arith.constant 0 : i32
    %dma_wait3A_58 = tpu.memref_slice %arg6[%sub3A_52, %dma_wait3A_57] : memref<16384x2144xf32, #tpu.memory_space<hbm>> -> memref<1x2144xf32, #tpu.memory_space<hbm>>
    %dma_wait3A_59 = tpu.memref_squeeze %dma_wait3A_58 : memref<1x2144xf32, #tpu.memory_space<hbm>> -> memref<2144xf32, #tpu.memory_space<hbm>>
    %dma_wait3A_60 = arith.constant 2144 : i32
    %dma_wait3A_61 = tpu.memref_slice %arg18[%dma_wait3A_60] : memref<4288xf32, #tpu.memory_space<vmem>> -> memref<2144xf32, #tpu.memory_space<vmem>>
    tpu.wait_dma2 semaphore(%arg21 : memref<!tpu.dma_semaphore, #tpu.memory_space<semaphore_mem>>) src(%dma_wait3A_61 : memref<2144xf32, #tpu.memory_space<vmem>>) dst(%dma_wait3A_59 : memref<2144xf32, #tpu.memory_space<hbm>>)
    %dma_wait3A_62 = arith.constant 32 : i32
    %dma_wait3A_63 = tpu.memref_slice %arg16[%dma_wait3A_62] : memref<64xi32, #tpu.memory_space<vmem>> -> memref<32xi32, #tpu.memory_space<vmem>>
    %dma_wait3A_64 = arith.constant 0 : i32
    %dma_wait3A_65 = arith.constant 0 : i32
    %dma_wait3A_66 = tpu.memref_slice %arg5[%dma_wait3A_64, %dma_wait3A_65] : memref<65536x80xf32, #tpu.memory_space<hbm>> -> memref<65536x80xf32, #tpu.memory_space<hbm>>
    tpu.wait_indirect_dma semaphore(%arg20 : memref<!tpu.dma_semaphore, #tpu.memory_space<semaphore_mem>>) src(%dma_wait3A_66 : memref<65536x80xf32, #tpu.memory_space<hbm>>) dst(%arg17 : memref<32x80xf32, #tpu.memory_space<vmem>>)
    %add3A_67 = arith.constant 16 : i32
    %add3A_68 = vector.broadcast %add3A_67 : i32 to vector<16xi32>
    %add3A_69 = arith.addi %iota3A, %add3A_68 : vector<16xi32>
    %broadcast_in_dim3A_70 = vector.broadcast %scan3A_47 : i32 to vector<16xi32>
    %gt3A = arith.constant 0 : i32
    %gt3A_71 = vector.broadcast %gt3A : i32 to vector<16xi32>
    %gt3A_72 = arith.cmpi sgt, %broadcast_in_dim3A_70, %gt3A_71 : vector<16xi32>
    %jit3A_73 = arith.constant 1.000000e+00 : f32
    %jit3A_74 = arith.constant 0.000000e+00 : f32
    %broadcast_in_dim3A_75 = vector.broadcast %jit3A_73 : f32 to vector<16xf32>
    %broadcast_in_dim3A_76 = vector.broadcast %jit3A_74 : f32 to vector<16xf32>
    %select_n3A_77 = arith.select %gt3A_72, %broadcast_in_dim3A_75, %broadcast_in_dim3A_76 : vector<16xi1>, vector<16xf32>
    %broadcast_in_dim3A_78 = arith.constant 1533 : i32
    %broadcast_in_dim3A_79 = vector.broadcast %broadcast_in_dim3A_78 : i32 to vector<16xi32>
    %gather3A = tpu.vector_load_idx %arg13[%broadcast_in_dim3A_79] : memref<1536xf32, #tpu.memory_space<vmem>>[vector<16xi32>], vector<16xf32>,
    %broadcast_in_dim3A_80 = arith.constant 1534 : i32
    %broadcast_in_dim3A_81 = vector.broadcast %broadcast_in_dim3A_80 : i32 to vector<16xi32>
    %gather3A_82 = tpu.vector_load_idx %arg13[%broadcast_in_dim3A_81] : memref<1536xf32, #tpu.memory_space<vmem>>[vector<16xi32>], vector<16xf32>,
    %broadcast_in_dim3A_83 = arith.constant 1535 : i32
    %broadcast_in_dim3A_84 = vector.broadcast %broadcast_in_dim3A_83 : i32 to vector<16xi32>
    %gather3A_85 = tpu.vector_load_idx %arg13[%broadcast_in_dim3A_84] : memref<1536xf32, #tpu.memory_space<vmem>>[vector<16xi32>], vector<16xf32>,
    %broadcast_in_dim3A_86 = arith.constant 0 : i32
    %broadcast_in_dim3A_87 = vector.broadcast %broadcast_in_dim3A_86 : i32 to vector<16xi32>
    %gather3A_88 = tpu.vector_load_idx %arg17[%iota3A, %broadcast_in_dim3A_87] : memref<32x80xf32, #tpu.memory_space<vmem>>[vector<16xi32>, vector<16xi32>], vector<16xf32>,
    %gather3A_89 = tpu.vector_load_idx %arg17[%add3A_69, %broadcast_in_dim3A_87] : memref<32x80xf32, #tpu.memory_space<vmem>>[vector<16xi32>, vector<16xi32>], vector<16xf32>,
    %sub3A_90 = arith.subf %gather3A_88, %gather3A : vector<16xf32>
    %mul3A_91 = arith.mulf %sub3A_90, %select_n3A_77 : vector<16xf32>
    %swap3A = arith.constant 2144 : index
    %swap3A_92 = tpu.vector_load %arg18[%swap3A] {strides = array<i32>} : memref<4288xf32, #tpu.memory_space<vmem>>, vector<16xf32>,
    tpu.vector_store %arg18[%swap3A], %mul3A_91 {strides = array<i32>} : memref<4288xf32, #tpu.memory_space<vmem>>, vector<16xf32>,
    %sub3A_93 = arith.subf %gather3A_89, %gather3A : vector<16xf32>
    %mul3A_94 = arith.mulf %sub3A_93, %select_n3A_77 : vector<16xf32>
    %swap3A_95 = arith.constant 2160 : index
    %swap3A_96 = tpu.vector_load %arg18[%swap3A_95] {strides = array<i32>} : memref<4288xf32, #tpu.memory_space<vmem>>, vector<16xf32>,
    tpu.vector_store %arg18[%swap3A_95], %mul3A_94 {strides = array<i32>} : memref<4288xf32, #tpu.memory_space<vmem>>, vector<16xf32>,
    %broadcast_in_dim3A_97 = arith.constant 1 : i32
    %broadcast_in_dim3A_98 = vector.broadcast %broadcast_in_dim3A_97 : i32 to vector<16xi32>
    %gather3A_99 = tpu.vector_load_idx %arg17[%iota3A, %broadcast_in_dim3A_98] : memref<32x80xf32, #tpu.memory_space<vmem>>[vector<16xi32>, vector<16xi32>], vector<16xf32>,
    %gather3A_100 = tpu.vector_load_idx %arg17[%add3A_69, %broadcast_in_dim3A_98] : memref<32x80xf32, #tpu.memory_space<vmem>>[vector<16xi32>, vector<16xi32>], vector<16xf32>,
    %sub3A_101 = arith.subf %gather3A_99, %gather3A_82 : vector<16xf32>
    %mul3A_102 = arith.mulf %sub3A_101, %select_n3A_77 : vector<16xf32>
    %swap3A_103 = arith.constant 2176 : index
    %swap3A_104 = tpu.vector_load %arg18[%swap3A_103] {strides = array<i32>} : memref<4288xf32, #tpu.memory_space<vmem>>, vector<16xf32>,
    tpu.vector_store %arg18[%swap3A_103], %mul3A_102 {strides = array<i32>} : memref<4288xf32, #tpu.memory_space<vmem>>, vector<16xf32>,
    %sub3A_105 = arith.subf %gather3A_100, %gather3A_82 : vector<16xf32>
    %mul3A_106 = arith.mulf %sub3A_105, %select_n3A_77 : vector<16xf32>
    %swap3A_107 = arith.constant 2192 : index
    %swap3A_108 = tpu.vector_load %arg18[%swap3A_107] {strides = array<i32>} : memref<4288xf32, #tpu.memory_space<vmem>>, vector<16xf32>,
    tpu.vector_store %arg18[%swap3A_107], %mul3A_106 {strides = array<i32>} : memref<4288xf32, #tpu.memory_space<vmem>>, vector<16xf32>,
    %broadcast_in_dim3A_109 = arith.constant 2 : i32
    %broadcast_in_dim3A_110 = vector.broadcast %broadcast_in_dim3A_109 : i32 to vector<16xi32>
    %gather3A_111 = tpu.vector_load_idx %arg17[%iota3A, %broadcast_in_dim3A_110] : memref<32x80xf32, #tpu.memory_space<vmem>>[vector<16xi32>, vector<16xi32>], vector<16xf32>,
    %gather3A_112 = tpu.vector_load_idx %arg17[%add3A_69, %broadcast_in_dim3A_110] : memref<32x80xf32, #tpu.memory_space<vmem>>[vector<16xi32>, vector<16xi32>], vector<16xf32>,
    %sub3A_113 = arith.subf %gather3A_111, %gather3A_85 : vector<16xf32>
    %mul3A_114 = arith.mulf %sub3A_113, %select_n3A_77 : vector<16xf32>
    %swap3A_115 = arith.constant 2208 : index
    %swap3A_116 = tpu.vector_load %arg18[%swap3A_115] {strides = array<i32>} : memref<4288xf32, #tpu.memory_space<vmem>>, vector<16xf32>,
    tpu.vector_store %arg18[%swap3A_115], %mul3A_114 {strides = array<i32>} : memref<4288xf32, #tpu.memory_space<vmem>>, vector<16xf32>,
    %sub3A_117 = arith.subf %gather3A_112, %gather3A_85 : vector<16xf32>
    %mul3A_118 = arith.mulf %sub3A_117, %select_n3A_77 : vector<16xf32>
    %swap3A_119 = arith.constant 2224 : index
    %swap3A_120 = tpu.vector_load %arg18[%swap3A_119] {strides = array<i32>} : memref<4288xf32, #tpu.memory_space<vmem>>, vector<16xf32>,
    tpu.vector_store %arg18[%swap3A_119], %mul3A_118 {strides = array<i32>} : memref<4288xf32, #tpu.memory_space<vmem>>, vector<16xf32>,
    %scan3A_121 = arith.constant 0 : i32
    %scan3A_122 = arith.constant 0 : i32
    %scan3A_123 = arith.constant 32 : i32
    %scan3A_124 = arith.addi %scan3A_122, %scan3A_123 : i32
    %scan3A_125 = arith.constant 1 : i32
    scf.for %scan3A_166 = %scan3A_122 to %scan3A_124 step %scan3A_125  : i32 {
      %mul3A_167 = arith.constant 2 : i32
      %mul3A_168 = arith.muli %mul3A_167, %scan3A_166 : i32
      %add3A_169 = arith.constant 3 : i32
      %add3A_170 = arith.addi %mul3A_168, %add3A_169 : i32
      %broadcast_in_dim3A_171 = vector.broadcast %add3A_170 : i32 to vector<16xi32>
      %add3A_172 = arith.constant 4 : i32
      %add3A_173 = arith.addi %mul3A_168, %add3A_172 : i32
      %broadcast_in_dim3A_174 = vector.broadcast %add3A_173 : i32 to vector<16xi32>
      %gather3A_175 = tpu.vector_load_idx %arg17[%iota3A, %broadcast_in_dim3A_171] : memref<32x80xf32, #tpu.memory_space<vmem>>[vector<16xi32>, vector<16xi32>], vector<16xf32>,
      %gather3A_176 = tpu.vector_load_idx %arg17[%add3A_69, %broadcast_in_dim3A_171] : memref<32x80xf32, #tpu.memory_space<vmem>>[vector<16xi32>, vector<16xi32>], vector<16xf32>,
      %gather3A_177 = tpu.vector_load_idx %arg17[%iota3A, %broadcast_in_dim3A_174] : memref<32x80xf32, #tpu.memory_space<vmem>>[vector<16xi32>, vector<16xi32>], vector<16xf32>,
      %gather3A_178 = tpu.vector_load_idx %arg17[%add3A_69, %broadcast_in_dim3A_174] : memref<32x80xf32, #tpu.memory_space<vmem>>[vector<16xi32>, vector<16xi32>], vector<16xf32>,
      %add3A_179 = arith.constant 3 : i32
      %add3A_180 = arith.addi %add3A_179, %mul3A_168 : i32
      %mul3A_181 = arith.constant 32 : i32
      %mul3A_182 = arith.muli %add3A_180, %mul3A_181 : i32
      %add3A_183 = arith.constant 2144 : i32
      %add3A_184 = arith.addi %add3A_183, %mul3A_182 : i32
      %mul3A_185 = arith.mulf %gather3A_175, %select_n3A_77 : vector<16xf32>
      %swap3A_186 = arith.index_cast %add3A_184 : i32 to index
      %swap3A_187 = tpu.vector_load %arg18[%swap3A_186] {strides = array<i32>} : memref<4288xf32, #tpu.memory_space<vmem>>, vector<16xf32>,
      tpu.vector_store %arg18[%swap3A_186], %mul3A_185 {strides = array<i32>} : memref<4288xf32, #tpu.memory_space<vmem>>, vector<16xf32>,
      %mul3A_188 = arith.mulf %gather3A_176, %select_n3A_77 : vector<16xf32>
      %add3A_189 = arith.constant 16 : i32
      %add3A_190 = arith.addi %add3A_184, %add3A_189 : i32
      %swap3A_191 = arith.index_cast %add3A_190 : i32 to index
      %swap3A_192 = tpu.vector_load %arg18[%swap3A_191] {strides = array<i32>} : memref<4288xf32, #tpu.memory_space<vmem>>, vector<16xf32>,
      tpu.vector_store %arg18[%swap3A_191], %mul3A_188 {strides = array<i32>} : memref<4288xf32, #tpu.memory_space<vmem>>, vector<16xf32>,
      %mul3A_193 = arith.mulf %gather3A_177, %select_n3A_77 : vector<16xf32>
      %add3A_194 = arith.constant 32 : i32
      %add3A_195 = arith.addi %add3A_184, %add3A_194 : i32
      %swap3A_196 = arith.index_cast %add3A_195 : i32 to index
      %swap3A_197 = tpu.vector_load %arg18[%swap3A_196] {strides = array<i32>} : memref<4288xf32, #tpu.memory_space<vmem>>, vector<16xf32>,
      tpu.vector_store %arg18[%swap3A_196], %mul3A_193 {strides = array<i32>} : memref<4288xf32, #tpu.memory_space<vmem>>, vector<16xf32>,
      %mul3A_198 = arith.mulf %gather3A_178, %select_n3A_77 : vector<16xf32>
      %add3A_199 = arith.constant 32 : i32
      %add3A_200 = arith.addi %add3A_184, %add3A_199 : i32
      %add3A_201 = arith.constant 16 : i32
      %add3A_202 = arith.addi %add3A_200, %add3A_201 : i32
      %swap3A_203 = arith.index_cast %add3A_202 : i32 to index
      %swap3A_204 = tpu.vector_load %arg18[%swap3A_203] {strides = array<i32>} : memref<4288xf32, #tpu.memory_space<vmem>>, vector<16xf32>,
      tpu.vector_store %arg18[%swap3A_203], %mul3A_198 {strides = array<i32>} : memref<4288xf32, #tpu.memory_space<vmem>>, vector<16xf32>,
    }
    %scan3A_126 = arith.constant 32 : i32
    %add3A_127 = arith.constant 511 : i32
    %add3A_128 = arith.addi %mul3A_2, %add3A_127 : i32
    %dma_start3A = arith.constant 2144 : i32
    %dma_start3A_129 = tpu.memref_slice %arg18[%dma_start3A] : memref<4288xf32, #tpu.memory_space<vmem>> -> memref<2144xf32, #tpu.memory_space<vmem>>
    %dma_start3A_130 = arith.constant 0 : i32
    %dma_start3A_131 = tpu.memref_slice %arg6[%add3A_128, %dma_start3A_130] : memref<16384x2144xf32, #tpu.memory_space<hbm>> -> memref<1x2144xf32, #tpu.memory_space<hbm>>
    %dma_start3A_132 = tpu.memref_squeeze %dma_start3A_131 : memref<1x2144xf32, #tpu.memory_space<hbm>> -> memref<2144xf32, #tpu.memory_space<hbm>>
    %dma_start3A_133 = arith.constant 0 : i32
    %dma_start3A_134 = tpu.memref_slice %arg6[%add3A_128, %dma_start3A_133] : memref<16384x2144xf32, #tpu.memory_space<hbm>> -> memref<1x2144xf32, #tpu.memory_space<hbm>>
    %dma_start3A_135 = tpu.memref_squeeze %dma_start3A_134 : memref<1x2144xf32, #tpu.memory_space<hbm>> -> memref<2144xf32, #tpu.memory_space<hbm>>
    %dma_start3A_136 = arith.constant 2144 : i32
    %dma_start3A_137 = tpu.memref_slice %arg18[%dma_start3A_136] : memref<4288xf32, #tpu.memory_space<vmem>> -> memref<2144xf32, #tpu.memory_space<vmem>>
    tpu.enqueue_dma source(%dma_start3A_137 : memref<2144xf32, #tpu.memory_space<vmem>>) target(%dma_start3A_135 : memref<2144xf32, #tpu.memory_space<hbm>>) target_semaphore(%arg21 : memref<!tpu.dma_semaphore, #tpu.memory_space<semaphore_mem>>)
    %add3A_138 = arith.constant 512 : i32
    %add3A_139 = arith.addi %mul3A_2, %add3A_138 : i32
    %sub3A_140 = arith.constant 2 : i32
    %sub3A_141 = arith.subi %add3A_139, %sub3A_140 : i32
    %dma_wait3A_142 = arith.constant 0 : i32
    %dma_wait3A_143 = tpu.memref_slice %arg18[%dma_wait3A_142] : memref<4288xf32, #tpu.memory_space<vmem>> -> memref<2144xf32, #tpu.memory_space<vmem>>
    %dma_wait3A_144 = arith.constant 0 : i32
    %dma_wait3A_145 = tpu.memref_slice %arg6[%sub3A_141, %dma_wait3A_144] : memref<16384x2144xf32, #tpu.memory_space<hbm>> -> memref<1x2144xf32, #tpu.memory_space<hbm>>
    %dma_wait3A_146 = tpu.memref_squeeze %dma_wait3A_145 : memref<1x2144xf32, #tpu.memory_space<hbm>> -> memref<2144xf32, #tpu.memory_space<hbm>>
    %dma_wait3A_147 = arith.constant 0 : i32
    %dma_wait3A_148 = tpu.memref_slice %arg6[%sub3A_141, %dma_wait3A_147] : memref<16384x2144xf32, #tpu.memory_space<hbm>> -> memref<1x2144xf32, #tpu.memory_space<hbm>>
    %dma_wait3A_149 = tpu.memref_squeeze %dma_wait3A_148 : memref<1x2144xf32, #tpu.memory_space<hbm>> -> memref<2144xf32, #tpu.memory_space<hbm>>
    %dma_wait3A_150 = arith.constant 0 : i32
    %dma_wait3A_151 = tpu.memref_slice %arg18[%dma_wait3A_150] : memref<4288xf32, #tpu.memory_space<vmem>> -> memref<2144xf32, #tpu.memory_space<vmem>>
    tpu.wait_dma2 semaphore(%arg21 : memref<!tpu.dma_semaphore, #tpu.memory_space<semaphore_mem>>) src(%dma_wait3A_151 : memref<2144xf32, #tpu.memory_space<vmem>>) dst(%dma_wait3A_149 : memref<2144xf32, #tpu.memory_space<hbm>>)
    %add3A_152 = arith.constant 512 : i32
    %add3A_153 = arith.addi %mul3A_2, %add3A_152 : i32
    %sub3A_154 = arith.constant 1 : i32
    %sub3A_155 = arith.subi %add3A_153, %sub3A_154 : i32
    %dma_wait3A_156 = arith.constant 2144 : i32
    %dma_wait3A_157 = tpu.memref_slice %arg18[%dma_wait3A_156] : memref<4288xf32, #tpu.memory_space<vmem>> -> memref<2144xf32, #tpu.memory_space<vmem>>
    %dma_wait3A_158 = arith.constant 0 : i32
    %dma_wait3A_159 = tpu.memref_slice %arg6[%sub3A_155, %dma_wait3A_158] : memref<16384x2144xf32, #tpu.memory_space<hbm>> -> memref<1x2144xf32, #tpu.memory_space<hbm>>
    %dma_wait3A_160 = tpu.memref_squeeze %dma_wait3A_159 : memref<1x2144xf32, #tpu.memory_space<hbm>> -> memref<2144xf32, #tpu.memory_space<hbm>>
    %dma_wait3A_161 = arith.constant 0 : i32
    %dma_wait3A_162 = tpu.memref_slice %arg6[%sub3A_155, %dma_wait3A_161] : memref<16384x2144xf32, #tpu.memory_space<hbm>> -> memref<1x2144xf32, #tpu.memory_space<hbm>>
    %dma_wait3A_163 = tpu.memref_squeeze %dma_wait3A_162 : memref<1x2144xf32, #tpu.memory_space<hbm>> -> memref<2144xf32, #tpu.memory_space<hbm>>
    %dma_wait3A_164 = arith.constant 2144 : i32
    %dma_wait3A_165 = tpu.memref_slice %arg18[%dma_wait3A_164] : memref<4288xf32, #tpu.memory_space<vmem>> -> memref<2144xf32, #tpu.memory_space<vmem>>
    tpu.wait_dma2 semaphore(%arg21 : memref<!tpu.dma_semaphore, #tpu.memory_space<semaphore_mem>>) src(%dma_wait3A_165 : memref<2144xf32, #tpu.memory_space<vmem>>) dst(%dma_wait3A_163 : memref<2144xf32, #tpu.memory_space<hbm>>)
    return
  }
}

</mosaic_0001>

<sc_bundles>
// kernel: kernel.3.cloned.1.call-start
scs
__scs_entry_jumppad:
0x0: {  	(pc) =	sbr.rel $0x88, $3  }
0x1: {  	(tag) =	ssettag $0x0;
	lr =	simm.s32 $0x1  }
0x2: {  	[smem:$0x3F9C] =	sst lr;
	_ =	strace $0xD0000000  }
0x3: {  	_ = 	snop  }
0x4: {  	_ = 	snop  }
0x5: {  	_ = 	snop  }
0x6: {  	_ = 	snop  }
0x7: {  	_ = 	snop  }
__scs_overlays_trampoline_lowered:
0x8: {  	[smem:$0x3FAB] =	sst s0  }
0x9: {  	[smem:$0x3FAC] =	sst s1  }
0xa: {  	[smem:$0x3FAD] =	sst s2  }
0xb: {  	[smem:$0x3FAE] =	sst s3  }
0xc: {  	[smem:$0x3FAF] =	sst s4  }
0xd: {  	[smem:$0x3FB0] =	sst s5  }
0xe: {  	[smem:$0x3FB1] =	sst s6  }
0xf: {  	[smem:$0x3FB2] =	sst s7  }
0x10: {  	[smem:$0x3FB3] =	sst s8  }
0x11: {  	[smem:$0x3FB4] =	sst s9;
	s0 =	simm.s32 @!p0 $0x0  }
0x12: {  	s1 =	sld [smem:$0x3F9A];
	s0 =	simm.s32 @p0 $0x1  }
0x13: {  	[smem:$0x3FB5] =	sst s0;
	s0 =	simm.s32 @!p1 $0x0  }
0x14: {  	s2 =	sld [smem:$0x3F99];
	s0 =	simm.s32 @p1 $0x1  }
0x15: {  	[smem:$0x3FB6] =	sst s0;
	s0 =	simm.s32 @!p2 $0x0  }
0x16: {  	s3 =	sld [smem:$0x3FDB];
	s0 =	simm.s32 @p2 $0x1  }
0x17: {  	s4 =	simm.s32 $0x1BF5;
	[smem:$0x3FB8] =	sst s0  }
0x18: {  	s0 =	sld [smem:$0x3F9B];
	_ =	swait.ge [sflag:s4], $0x0  }
0x19: {  	s7 =	sld [smem:$0x3F9C]  }
0x1a: {  	s8 =	sadd.s32 $0xFFFFE003, lr  }
0x1b: {  	s9 =	sadd.s32 $0xFFFFFEF7, lr;
	s5 =	simm.s32 $0xFFFFFFFF;
	p2 =	slt.u32 s8, $0xFFFFF086  }
0x1c: {  	p1 =	slt.u32 s9, $0xF7A;
	s5 =	simm.s32 @!p2 $0x0  }
0x1d: {  	s5 =	simm.s32 @p1 $0x1;
	p0 =	seq.s32 s7, s2  }
0x1e: {  	s7 =	smul.u32 @!p0 $0xF7A, s2;
	p2 =	seq.s32 @!p0 s5, $0x0  }
0x1f: {  	s9 =	smul.u32 $0xF7A, s1;
	s8 =	simm.s32 @!p0 $0x1BF5;
	p2 =	por !p2, p0  }
0x20: {  	[sflag:s8] =	ssyncset.s32 @!p0 $0xFFFFF086;
	s6 =	sadd.s32 @!p0 s3, s7;
	s7 =	simm.s32 @!p0 $0x108  }
0x21: {  	s3 =	sadd.s32 s3, s9;
	s6 =	sadd.s32 @!p0 $0x88, s6;
	s7 =	simm.s32 @p2 $0x1082  }
0x22: {  	[simem:s7], [sflag:s8] =	dma.local @!p0 [hbm:s6], $0xF7A  }
0x23: {  	s9 =	sor.u32 $0xD0000000, s2;
	s6 =	simm.s32 $0x108;
	_ =	swait.ge @!p0 [sflag:s8], $0x0  }
0x24: {  	s3 =	sadd.s32 $0x88, s3;
	s6 =	simm.s32 @!p1 $0x1082;
	[sflag:s4] =	ssyncset.s32 $0xFFFFF086  }
0x25: {  	[simem:s6], [sflag:s4] =	dma.local [hbm:s3], $0xF7A  }
0x26: {  	[smem:$0x3F9C] =	sst s1;
	(tag) =	ssettag s2;
	_ =	strace s9  }
0x27: {  	s1 =	sld [smem:$0x3FAC]  }
0x28: {  	s2 =	sld [smem:$0x3FAD]  }
0x29: {  	s4 =	sld [smem:$0x3FAF]  }
0x2a: {  	p0 =	seq.s32 s5, $0x0;
	s5 =	sld [smem:$0x3FB0]  }
0x2b: {  	s6 =	sld [smem:$0x3FB1]  }
0x2c: {  	s7 =	sld [smem:$0x3FB2]  }
0x2d: {  	s3 =	simm.s32 $0x108;
	s8 =	sld [smem:$0x3FB3]  }
0x2e: {  	s3 =	simm.s32 @!p0 $0x1082;
	s9 =	sld [smem:$0x3FB4]  }
0x2f: {  	lr =	sadd.s32 s0, s3;
	s0 =	sld [smem:$0x3FAB]  }
0x30: {  	s3 =	sld [smem:$0x3FAE]  }
0x31: {  	[smem:$0x3FB7] =	sst s10  }
0x32: {  	s10 =	sld [smem:$0x3FB5];
	_ =	sdelay $0x3  }
0x33: {  	p0 =	seq.s32 s10, $0x1;
	s10 =	sld [smem:$0x3FB7];
	_ =	sdelay $0x3  }
0x34: {  	[smem:$0x3FB7] =	sst s10  }
0x35: {  	s10 =	sld [smem:$0x3FB6];
	_ =	sdelay $0x3  }
0x36: {  	p1 =	seq.s32 s10, $0x1;
	s10 =	sld [smem:$0x3FB7];
	_ =	sdelay $0x3  }
0x37: {  	[smem:$0x3FB7] =	sst s10  }
0x38: {  	s10 =	sld [smem:$0x3FB8]  }
0x39: {  	_ = 	snop;
	(pc) =	sbr.ind lr, $3  }
0x3a: {  	_ = 	snop  }
0x3b: {  	_ = 	snop  }
0x3c: {  	p2 =	seq.s32 s10, $0x1;
	s10 =	sld [smem:$0x3FB7]  }
0x3d: {  	_ =	shalt  }
0x3e: {  	_ =	shalt  }
0x3f: {  	_ =	shalt  }
0x40: {  	_ =	shalt  }
0x41: {  	_ =	shalt  }
0x42: {  	_ =	shalt  }
0x43: {  	_ =	shalt  }
0x44: {  	_ =	shalt  }
0x45: {  	_ =	shalt  }
0x46: {  	_ =	shalt  }
0x47: {  	_ =	shalt  }
0x48: {  	_ =	shalt  }
0x49: {  	_ =	shalt  }
0x4a: {  	_ =	shalt  }
0x4b: {  	_ =	shalt  }
0x4c: {  	_ =	shalt  }
0x4d: {  	_ =	shalt  }
0x4e: {  	_ =	shalt  }
0x4f: {  	_ =	shalt  }
0x50: {  	_ =	shalt  }
0x51: {  	_ =	shalt  }
0x52: {  	_ =	shalt  }
0x53: {  	_ =	shalt  }
0x54: {  	_ =	shalt  }
0x55: {  	_ =	shalt  }
0x56: {  	_ =	shalt  }
0x57: {  	_ =	shalt  }
0x58: {  	_ =	shalt  }
0x59: {  	_ =	shalt  }
0x5a: {  	_ =	shalt  }
0x5b: {  	_ =	shalt  }
0x5c: {  	_ =	shalt  }
0x5d: {  	_ =	shalt  }
0x5e: {  	_ =	shalt  }
0x5f: {  	_ =	shalt  }
0x60: {  	_ =	shalt  }
0x61: {  	_ =	shalt  }
0x62: {  	_ =	shalt  }
0x63: {  	_ =	shalt  }
0x64: {  	_ =	shalt  }
0x65: {  	_ =	shalt  }
0x66: {  	_ =	shalt  }
0x67: {  	_ =	shalt  }
0x68: {  	_ =	shalt  }
0x69: {  	_ =	shalt  }
0x6a: {  	_ =	shalt  }
0x6b: {  	_ =	shalt  }
0x6c: {  	_ =	shalt  }
0x6d: {  	_ =	shalt  }
0x6e: {  	_ =	shalt  }
0x6f: {  	_ =	shalt  }
0x70: {  	_ =	shalt  }
0x71: {  	_ =	shalt  }
0x72: {  	_ =	shalt  }
0x73: {  	_ =	shalt  }
0x74: {  	_ =	shalt  }
0x75: {  	_ =	shalt  }
0x76: {  	_ =	shalt  }
0x77: {  	_ =	shalt  }
0x78: {  	_ =	shalt  }
0x79: {  	_ =	shalt  }
0x7a: {  	_ =	shalt  }
0x7b: {  	_ =	shalt  }
0x7c: {  	_ =	shalt  }
0x7d: {  	_ =	shalt  }
0x7e: {  	_ =	shalt  }
0x7f: {  	_ =	shalt  }
0x80: {  	_ =	shalt  }
0x81: {  	_ =	shalt  }
0x82: {  	_ =	shalt  }
0x83: {  	_ =	shalt  }
0x84: {  	_ =	shalt  }
0x85: {  	_ =	shalt  }
0x86: {  	_ =	shalt  }
0x87: {  	_ =	shalt  }
.Lfunc_end0:
.L_simem_size_0:
called_computation.1_lowered:
.L_overlay_start_0:
0x88: {  	s2 =	sld [smem:$0x3FD9]  }
0x89: {  	s3 =	sld [smem:$0x3FFE];
	_ =	sdelay $0x1  }
0x8a: {  	s1 =	srdreg.scid  }
0x8b: {  	s0 =	sand.u32 $0x1, s1  }
0x8c: {  	s14 =	sshll.u32 s0, $0xA;
	s2 =	sadd.s32 s3, s2  }
0x8d: {  	s2 =	sadd.s32 s2, s14  }
0x8e: {  	[smem:$0x3FC3] =	sst s2  }
0x8f: {  	_ = 	snop  }
0x90: {  	s2 =	sld [smem:$0x3FD0];
	_ =	sdelay $0x2  }
0x91: {  	s15 =	simm.s32 $0xA;
	s4 =	simm.s32 $0x10  }
0x92: {  	[smem:s4], [sflag:s15] =	dma.local [hbm:s2], $0x1  }
0x93: {  	_ =	swait.eq [sflag:s15], $0x1  }
0x94: {  	[sflag:s15] =	ssyncset.done $0x0  }
0x95: {  	s16 =	sld [smem:$0x10];
	[sflag:s15] =	ssyncadd.s32 $0xFFFFFFFF  }
0x96: {  	s17 =	sld [smem:$0x11];
	(tm) =	ssettm $0x1  }
0x97: {  	s18 =	sld [smem:$0x3FFB];
	_ =	sdelay $0x3  }
0x98: {  	_ =	strace s18  }
0x99: {  	s4 =	sld [smem:$0x3FFC];
	_ =	sdelay $0x3  }
0x9a: {  	_ =	strace s4  }
0x9b: {  	s4 =	sld [smem:$0x3FFD];
	_ =	sdelay $0x3  }
0x9c: {  	_ =	strace s4  }
0x9d: {  	_ =	strace $0x8FFFFFFF  }
0x9e: {  	s19 =	sld [smem:$0x3FDB];
	_ =	sdelay $0x1  }
0x9f: {  	s5 =	simm.s32 $_scs_section_size  }
0xa0: {  	s6 =	simm.s32 $_size__tile_overlayer_lowered;
	s7 =	simm.s32 $_tile_overlayer_lowered  }
0xa1: {  	s22 =	simm.s32 $0x1BFF;
	s21 =	sshll.u32 s7, $0x1;
	s4 =	sadd.s32 s5, s19  }
0xa2: {  	s8 =	simm.s32 $0x0;
	s20 =	sshll.u32 s6, $0x1;
	s6 =	sadd.s32 s21, s4  }
0xa3: {  	[timem:s8], [sflag:s22] =	dma.local [hbm:s6], s20  }
0xa4: {  	_ =	swait.ge [sflag:s22], s20  }
0xa5: {  	s5 =	ssub.s32 $0x0, s20;
	[sflag:s22] =	ssyncset.done $0x0  }
0xa6: {  	[sflag:s22] =	ssyncadd.s32 s5;
	_ =	sdelay $0x1  }
0xa7: {  	s23 =	simm.s32 $0x1B8B  }
0xa8: {  	_ =	swait.ge [sflag:s23], $0x1  }
0xa9: {  	[sflag:s23] =	ssyncset.done $0x0  }
0xaa: {  	s25 =	simm.s32 $0x1B8E;
	s24 =	sld [smem:$0x3FFE];
	[sflag:s23] =	ssyncadd.s32 $0xFFFFFFFF  }
0xab: {  	s26 =	simm.s32 $execute0_lowered;
	[smem:$0x3FD2] =	sst s25  }
0xac: {  	s6 =	sshll.u32 s26, $0x1;
	_ =	strace $0x80000046;
	[dreg:$0x1] =	wrdreg $0xFFFFFFFF  }
0xad: {  	s28 =	simm.s32 $_size_execute0_lowered;
	s4 =	sadd.s32 s4, s6;
	[dreg:$0x0] =	wrdreg $0x0  }
0xae: {  	s6 =	sshll.u32 s28, $0x1;
	[dreg:$0x2] =	wrdreg s4  }
0xaf: {  	[dreg:$0x3] =	wrdreg s6  }
0xb0: {  	[dreg:$0x4] =	wrdreg $0xC0  }
0xb1: {  	_ =	task [dreg:s8], $0x5FFFF  }
0xb2: {  	[dreg:$0x1] =	wrdreg $0xFFFFFFFF  }
0xb3: {  	[dreg:$0x0] =	wrdreg $0x60  }
0xb4: {  	[dreg:$0x2] =	wrdreg s24  }
0xb5: {  	[dreg:$0x3] =	wrdreg s16  }
0xb6: {  	[dreg:$0x4] =	wrdreg s17  }
0xb7: {  	[dreg:$0x5] =	wrdreg $0x9  }
0xb8: {  	_ =	task.clear_ibuf [dreg:s8], $0x6FFFF;
	_ =	strace $0x90000046  }
0xb9: {  	s29 =	simm.s32 $0x9;
	_ =	strace $0x80000048  }
0xba: {  	_ =	swait.ge [sflag:s29], $0x1  }
0xbb: {  	[sflag:s29] =	ssyncadd.s32 $0xFFFFFFFF  }
0xbc: {  	_ =	strace $0x90000048  }
0xbd: {  	_ =	sfence  }
0xbe: {  	s30 =	sld [smem:$0x0];
	_ =	sdelay $0x2  }
0xbf: {  	s31 =	sshll.u32 s1, $0xD;
	s1 =	sshrl.u32 s1, $0x2  }
0xc0: {  	s3 =	sand.u32 $0x4000, s31;
	s1 =	sadd.s32 s1, s30  }
0xc1: {  	s0 =	sor.u32 s3, s0;
	s1 =	sshll.u32 s1, $0x11  }
0xc2: {  	s0 =	sor.u32 s1, s0  }
0xc3: {  	s0 =	sadd.s32 $0x8F2B, s0  }
0xc4: {  	[sflag:s0] =	ssyncadd.remote.s32 $0x1  }
0xc5: {  	_ =	sfence.sel $0xFFFF  }
0xc6: {  	[dreg:$0x0] =	wrdreg $0xFFFFFFFF;
	(pc) =	sbr.abs _section_cstart, $3  }
0xc7: {  	[dreg:$0x1] =	wrdreg $0xFFFFFFFF  }
0xc8: {  	_ =	task.clear_ibuf [dreg:s8], $0x2FFFF;
	_ =	strace $0x9FFFFFFF  }
0xc9: {  	(tm) =	ssettm $0x7FFFFFFF  }
tec
execute0_lowered:
.L_overlay_start_1:
0x0: {  	(tag) =	ssettag $0x1  }
0x1: {  	s0 =	rddreg [dreg:$0x0];
	s1 =	srdreg.scid  }
0x2: {  	s7 =	stileid.u32;
	s2 =	rddreg [dreg:$0x1]  }
0x3: {  	s5 =	rddreg [dreg:$0x2];
	s13 =	simm.s32 $0x10C00;
	s14 =	simm.s32 $0x3  }
0x4: {  	s16 =	simm.s32 $0x10000;
	s17 =	simm.s32 $0x20;
	s18 =	simm.s32 $0x113C0  }
0x5: {  	s19 =	simm.s32 $0x2;
	s20 =	simm.s32 $0x1;
	s22 =	simm.s32 $0x0  }
0x6: {  	s1 =	sand.u32 $0x1, s1;
	s3 =	sshll.u32 s7, $0x1;
	s4 =	sadd.s32 $0x3A00, s0  }
0x7: {  	v0 =	vlaneseq.u32;
	v2 =	vimm.s32 $0x52741630;
	s25 =	sadd.s32 $0xA9A00, s0;
	s10 =	sshrl.u32 s7, $0x2;
	s8 =	sor.u32 s1, s3  }
0x8: {  	v4 =	vimm.s32 $0x74163052;
	vm0 =	vmmov $0xff;
	v10 =	vimm.f32 $1.000000000e+00;
	s3 =	simm.s32 $0x0;
	s26 =	ssub.s32 $0x2, s1;
	s28 =	sshll.u32 s10, $0xE  }
0x9: {  	v11 =	vimm.s32 $0x5FD;
	v12 =	vimm.s32 $0x5FE;
	v13 =	vimm.s32 $0x5FF;
	s6 =	smul.u32 $0xC0, s8;
	[smem:$0x7FF] =	sst s3;
	s1 =	sshrl.u32 s26, $0x1  }
0xa: {  	v1 =	vmul.u32 $0x3, v0;
	v3 =	vunpack.c.l.s4.s8 v2;
	v2 =	vimm.s32 $0x63052741;
	s11 =	smul.u32 $0x10C000, s8;
	s7 =	sshll.u32 s8, $0x9;
	_ =	strace $0x80000047  }
0xb: {  	v7 =	vunpack.c.l.s4.s8 v4;
	v8 =	vor.u32 $0x10, v0;
	v9 =	vmul.u32 $0x50, v0;
	[dreg:$0x4] =	wrdreg s25;
	s9 =	sadd.s32 s6, s0;
	s6 =	sadd.s32 $0x9A00, s0  }
0xc: {  	v5 =	vunpack.c.l.s4.s8 v2;
	v2 =	vmov s28;
	v3 =	vunpack.c.0.s8.s32 v3;
	s0 =	ssub.s32 s26, s1;
	s30 =	sshrl.u32 s11, $0x3;
	s9 =	sadd.s32 $0x2200, s9  }
0xd: {  	v4 =	vadd.s32 $0x1, v1;
	v6 =	vadd.s32 $0x2, v1;
	v7 =	vunpack.c.0.s8.s32 v7;
	s31 =	sadd.s32 s2, s30;
	s0 =	smax.u32 s0, $0x1;
	[dreg:$0x5] =	wrdreg s9  }
0xe: {  	s29 =	sshll.u32 s8, $0xB;
	v14 =	vadd.s32 $0x500, v9;
	v15 =	vor.u32 $0x1, v9;
	v16 =	vadd.s32 $0x501, v9;
	s1 =	sadd.s32 $0x216F4, s31;
	[dreg:$0x7] =	wrdreg s0  }
0xf: {  	v17 =	vor.u32 $0x2, v9;
	v18 =	vadd.s32 $0x502, v9;
	v5 =	vunpack.c.0.s8.s32 v5;
	s9 =	smul.u32 $0xC000, s10;
	s10 =	sadd.s32 s5, s29;
	[dreg:$0x6] =	wrdreg s1  }
.LBB2_1:
0x10: {  	s0 =	rddreg [dreg:$0x5]  }
0x11: {  	[tilespmem:s13], [sflag:$0x3] =	stream.linear.gather [hbm4b:s0+s3], $0x600, $0x38;
	[tilespmem:$0x13680] =	vst v63  }
0x12: {  	_ =	swait.ge [sflag:s14], $0x600  }
0x13: {  	[sflag:s14] =	ssyncset.done $0x0  }
0x14: {  	s1 =	simm.s32 $0x11200;
	s31 =	rddreg [dreg:$0x4];
	[sflag:s14] =	ssyncadd.s32 $0xFFFFFA00  }
0x15: {  	[tilespmem:s1], [sflag:$0x3] =	stream.linear.gather [hbm4b:s31+s3], $0x10, $0x38;
	[tilespmem:$0x13680] =	vst v63  }
0x16: {  	_ =	swait.ge [sflag:s14], $0x10  }
0x17: {  	[sflag:s14] =	ssyncset.done $0x0  }
0x18: {  	s21 =	simm.s32 $0x4000;
	s15 =	simm.s32 $0xC000;
	[sflag:s14] =	ssyncadd.s32 $0xFFFFFFF0  }
0x19: {  	s5 =	simm.s32 $0x0;
	s28 =	simm.s32 $0x0;
	s0 =	simm.s32 $0x8000;
	v19 =	vld [tilespmem:$0x11200]  }
.LBB2_2:
0x1a: {  	s1 =	smul.u32 $0xC00, s28  }
0x1b: {  	s8 =	simm.s32 $0x0  }
0x1c: {  	v20 =	vadd.s32 s8, v1;
	s1 =	sadd.s32 s9, s1  }
0x1d: {  	v21 =	vadd.s32 s8, v6;
	v20 =	vand.u32 $0x1FF8, v20;
	s1 =	sshrl.u32 s1, $0x3  }
0x1e: {  	v22 =	vadd.s32 s8, v4;
	v21 =	vand.u32 $0x1FF8, v21;
	v20 =	vor.u32 v3, v20;
	s1 =	sadd.s32 s4, s1  }
0x1f: {  	v22 =	vand.u32 $0x1FF8, v22;
	v21 =	vor.u32 v7, v21;
	[tilespmem:s16], [sflag:$0x3] =	stream.linear.gather [hbm4b:s1+s8], $0xC00, $0x38;
	[tilespmem:$0x13680] =	vst v63  }
0x20: {  	v23 =	vor.u32 v5, v22;
	_ =	swait.ge [sflag:s14], $0xC00  }
0x21: {  	[sflag:s14] =	ssyncset.done $0x0  }
0x22: {  	[sflag:s14] =	ssyncadd.s32 $0xFFFFF400  }
0x23: {  	v26 =	vld.idx.msk [tilespmem:v20+s16+$0x0], $0xffff  }
0x24: {  	v22 =	vld.idx.msk [tilespmem:v21+s16+$0x0], $0xffff  }
0x25: {  	v24 =	vld.idx.msk [tilespmem:v23+s16+$0x0], $0xffff  }
0x26: {  	s26 =	simm.s32 $0x30  }
0x27: {  	v25 =	vadd.s32 s26, v4;
	v20 =	vadd.s32 s26, v6;
	v21 =	vadd.s32 s26, v1  }
0x28: {  	v25 =	vand.u32 $0x1FF8, v25;
	v23 =	vand.u32 $0x1FF8, v20;
	v20 =	vand.u32 $0x1FF8, v21  }
0x29: {  	s30 =	sadd.s32 $0x10, s0;
	s29 =	sadd.s32 $0x10, s15;
	s31 =	smov.u32 s21;
	v21 =	vor.u32 v3, v20;
	v20 =	vor.u32 v5, v25;
	v25 =	vshrl.u32 v26, $0x10  }
0x2a: {  	s23 =	smov.u32 s21;
	s24 =	smov.u32 s0;
	s25 =	smov.u32 s15;
	v28 =	vshrl.u32 v22, $0x10;
	v29 =	vshrl.u32 v24, $0x10;
	v27 =	vand.u32 $0x1, v25  }
0x2b: {  	s8 =	simm.s32 $0x60;
	s1 =	smov.u32 s5;
	s26 =	smov.u32 s5;
	v25 =	vmul.f32 v26, v26;
	v26 =	vadd.s32 v27, v26;
	v27 =	vmul.f32 v22, v22  }
.LBB2_3:
0x2c: {  	s26 =	sadd.s32 $0x10, s26  }
0x2d: {  	v29 =	vand.u32 $0x1, v29;
	v28 =	vand.u32 $0x1, v28;
	v30 =	vmul.f32 v24, v24;
	s31 =	sadd.s32 $0x10, s31;
	s11 =	smov.u32 s8;
	s12 =	sadd.s32 $0x30, s8  }
0x2e: {  	p0 =	sne.s32 s8, $0xBD0;
	v26 =	vadd.s32 $0x7FFF, v26;
	v24 =	vadd.s32 v29, v24;
	v25 =	vadd.f32 v27, v25  }
0x2f: {  	v26 =	vand.u32 $0xFFFF0000, v26;
	v22 =	vadd.s32 v28, v22;
	v24 =	vadd.s32 $0x7FFF, v24  }
0x30: {  	v27 =	vor.u32 v7, v23;
	v22 =	vadd.s32 $0x7FFF, v22;
	[tilespmem:s1+$0x0] =	vst v26;
	v23 =	vand.u32 $0xFFFF0000, v24;
	s1 =	smov.u32 s26  }
0x31: {  	v22 =	vand.u32 $0xFFFF0000, v22;
	[tilespmem:s23+$0x0] =	vst v23;
	v23 =	vadd.f32 v25, v30;
	s23 =	smov.u32 s31  }
0x32: {  	[tilespmem:s24+$0x0] =	vst v22;
	s24 =	smov.u32 s30  }
0x33: {  	[tilespmem:s25+$0x0] =	vst v23;
	s25 =	smov.u32 s29  }
0x34: {  	v22 =	vadd.s32 s11, v6;
	v26 =	vld.idx.msk [tilespmem:v21+s16+$0x0], $0xffff  }
0x35: {  	v23 =	vand.u32 $0x1FF8, v22;
	v22 =	vld.idx.msk [tilespmem:v27+s16+$0x0], $0xffff  }
0x36: {  	v24 =	vld.idx.msk [tilespmem:v20+s16+$0x0], $0xffff;
	_ =	sdelay $0x1  }
.Ltmp0:
0x37: {  	v21 =	vadd.s32 s11, v4;
	v20 =	vadd.s32 s11, v1;
	(pc) =	sbr.rel @p0 .LBB2_3-.Ltmp0, $4  }
0x38: {  	v25 =	vand.u32 $0x1FF8, v21;
	v20 =	vand.u32 $0x1FF8, v20  }
0x39: {  	v21 =	vor.u32 v3, v20;
	v20 =	vor.u32 v5, v25;
	v25 =	vshrl.u32 v26, $0x10  }
0x3a: {  	v27 =	vand.u32 $0x1, v25;
	v28 =	vshrl.u32 v22, $0x10;
	v25 =	vmul.f32 v26, v26  }
0x3b: {  	s8 =	smov.u32 s12;
	s30 =	sadd.s32 $0x10, s30;
	s29 =	sadd.s32 $0x10, s29;
	v26 =	vadd.s32 v27, v26;
	v29 =	vshrl.u32 v24, $0x10;
	v27 =	vmul.f32 v22, v22  }
0x3c: {  	v29 =	vand.u32 $0x1, v29;
	v28 =	vand.u32 $0x1, v28;
	v30 =	vmul.f32 v24, v24  }
0x3d: {  	v26 =	vadd.s32 $0x7FFF, v26;
	v53 =	vadd.s32 v29, v24;
	v25 =	vadd.f32 v27, v25  }
0x3e: {  	v26 =	vand.u32 $0xFFFF0000, v26;
	v22 =	vadd.s32 v28, v22;
	v24 =	vadd.s32 $0x7FFF, v53  }
0x3f: {  	v23 =	vor.u32 v7, v23;
	[tilespmem:s1+$0x0] =	vst v26;
	v22 =	vadd.s32 $0x7FFF, v22;
	v24 =	vand.u32 $0xFFFF0000, v24  }
0x40: {  	v22 =	vand.u32 $0xFFFF0000, v22;
	v54 =	vadd.f32 v25, v30;
	[tilespmem:s23+$0x0] =	vst v24  }
0x41: {  	[tilespmem:s24+$0x0] =	vst v22  }
0x42: {  	[tilespmem:s25+$0x0] =	vst v54  }
0x43: {  	v21 =	vld.idx.msk [tilespmem:v21+s16+$0x0], $0xffff  }
0x44: {  	v22 =	vld.idx.msk [tilespmem:v23+s16+$0x0], $0xffff  }
0x45: {  	v20 =	vld.idx.msk [tilespmem:v20+s16+$0x0], $0xffff;
	_ =	sdelay $0x3  }
0x46: {  	v55 =	vshrl.u32 v21, $0x10  }
0x47: {  	v56 =	vshrl.u32 v22, $0x10;
	v57 =	vmul.f32 v21, v21;
	v58 =	vshrl.u32 v20, $0x10  }
0x48: {  	v59 =	vmul.f32 v22, v22;
	v60 =	vmul.f32 v20, v20;
	v23 =	vand.u32 $0x1, v55  }
0x49: {  	s28 =	sadd.s32 $0x1, s28;
	v24 =	vand.u32 $0x1, v56;
	v21 =	vadd.s32 v23, v21;
	v23 =	vand.u32 $0x1, v58  }
0x4a: {  	p0 =	sne.s32 s28, $0x10;
	v61 =	vadd.f32 v59, v57;
	v21 =	vadd.s32 $0x7FFF, v21;
	v20 =	vadd.s32 v23, v20  }
.Ltmp1:
0x4b: {  	s26 =	sadd.s32 $0x10, s26;
	v22 =	vadd.s32 v24, v22;
	v21 =	vand.u32 $0xFFFF0000, v21;
	v20 =	vadd.s32 $0x7FFF, v20;
	(pc) =	sbr.rel @p0 .LBB2_2-.Ltmp1, $4  }
0x4c: {  	s8 =	sadd.s32 $0x10, s31;
	v62 =	vadd.s32 $0x7FFF, v22;
	[tilespmem:s26+$0x0] =	vst v21;
	v20 =	vand.u32 $0xFFFF0000, v20  }
0x4d: {  	v63 =	vadd.f32 v61, v60;
	[tilespmem:s8+$0x0] =	vst v20;
	v20 =	vand.u32 $0xFFFF0000, v62  }
0x4e: {  	s5 =	sadd.s32 $0x400, s5;
	[tilespmem:s30+$0x0] =	vst v20  }
0x4f: {  	s21 =	sadd.s32 $0x400, s21;
	s0 =	sadd.s32 $0x400, s0;
	s15 =	sadd.s32 $0x400, s15;
	[tilespmem:s29+$0x0] =	vst v63  }
0x50: {  	v19 =	vnsel vm0, $0x0, v19  }
0x51: {  	(xrf0) =	vadd.scan.msk.s32 $0xffff, v19;
	_ =	sdelay $0x5  }
0x52: {  	v19, _, _ =	vpop (xrf0)  }
0x53: {  	(v2sf) =	vpush v19, $0xF;
	_ =	sdelay $0xc  }
.Ltmp2:
0x54: {  	_ = 	snop;
	(pc) =	sbr.rel .LBB2_6-.Ltmp2, $4  }
0x55: {  	_ = 	snop  }
0x56: {  	s0 =	spop (v2sf)  }
0x57: {  	s0 =	sadd.s32 $0xFFFEC000, s0  }
0x58: {  	s24 =	simm.s32 $0x0;
	s23 =	simm.s32 $0x0;
	v19 =	vmov s0  }
.LBB2_12:
0x59: {  	s23 =	sadd.s32 $0x1, s23  }
0x5a: {  	p0 =	sne.s32 s23, $0x200  }
.Ltmp3:
0x5b: {  	_ = 	snop;
	(pc) =	sbr.rel @!p0 .LBB2_13-.Ltmp3, $3  }
0x5c: {  	_ =	sdelay $0x1  }
0x5d: {  	s0 =	sor.u32 $0x11380, s26  }
0x5e: {  	[tilespmem:s18], [sflag:$0x1] =	stream.indirect.gather [hbm4b:s6+s17], $0x50, s0, s17, $0xb8;
	[tilespmem:$0x13680] =	vst v63  }
.LBB2_6:
0x5f: {  	s0 =	smul.u32 $0x3, s23;
	_ =	sdelay $0x1  }
0x60: {  	v20 =	vmov s0;
	s1 =	sadd.s32 $0x2, s0  }
0x61: {  	s0 =	sadd.s32 $0x1, s0;
	v21 =	vmov s1  }
0x62: {  	v22 =	vmov s0;
	_ =	sdelay $0x2  }
0x63: {  	v23 =	vld.idx.msk [tilespmem:v20+s13+$0x0], $0xffff  }
0x64: {  	v21 =	vld.idx.msk [tilespmem:v21+s13+$0x0], $0xffff  }
0x65: {  	v22 =	vld.idx.msk [tilespmem:v22+s13+$0x0], $0xffff;
	_ =	sdelay $0x3  }
0x66: {  	v20 =	vmul.f32 v23, v23;
	v62 =	vshrl.u32 v23, $0x10  }
0x67: {  	v24 =	vmul.f32 v21, v21;
	v25 =	vshrl.u32 v22, $0x10;
	v26 =	vshrl.u32 v21, $0x10  }
0x68: {  	v61 =	vmul.f32 v22, v22;
	v25 =	vand.u32 $0x1, v25;
	v26 =	vand.u32 $0x1, v26  }
0x69: {  	v20 =	vadd.f32 v24, v20;
	v24 =	vand.u32 $0x1, v62;
	v22 =	vadd.s32 v25, v22  }
0x6a: {  	s25 =	smov.u32 s24;
	v21 =	vadd.s32 v26, v21;
	v23 =	vadd.s32 v24, v23;
	v22 =	vadd.s32 $0x7FFF, v22  }
0x6b: {  	s26 =	simm.s32 $0x8020;
	s28 =	simm.s32 $0xC020;
	s29 =	simm.s32 $0x20;
	v63 =	vadd.s32 $0x7FFF, v21;
	v20 =	vadd.f32 v20, v61;
	v23 =	vadd.s32 $0x7FFF, v23  }
0x6c: {  	s24 =	simm.s32 $0x0;
	s30 =	simm.s32 $0x0;
	s1 =	simm.s32 $0x4020;
	v22 =	vand.u32 $0xFFFF0000, v22;
	v21 =	vand.u32 $0xFFFF0000, v23;
	v23 =	vand.u32 $0xFFFF0000, v63  }
.LBB2_7:
0x6d: {  	v24 =	vld [tilespmem:s29+$0xFFFFFFE0]  }
0x6e: {  	v25 =	vld [tilespmem:s26+$0xFFFFFFE0];
	_ =	sdelay $0x1  }
0x6f: {  	v26 =	vld [tilespmem:s1+$0xFFFFFFE0];
	_ =	sdelay $0x2  }
0x70: {  	v24 =	vmul.f32 v21, v24;
	v25 =	vmul.f32 v23, v25  }
0x71: {  	v27 =	vld [tilespmem:s28+$0xFFFFFFE0]  }
0x72: {  	v39 =	vmul.f32 v22, v26;
	v24 =	vadd.f32 v25, v24;
	_ =	sdelay $0x1  }
0x73: {  	v24 =	vadd.f32 v24, v39;
	_ =	sdelay $0x1  }
0x74: {  	v40 =	vadd.f32 v27, v20;
	v24 =	vadd.f32 v24, v24;
	_ =	sdelay $0x1  }
0x75: {  	v24 =	vsub.f32 v40, v24;
	_ =	sdelay $0x1  }
0x76: {  	v41 =	vor.u32 s30, v0;
	vm1 =	vlt.f32 v24, $3.999999910e-02  }
0x77: {  	[tilespmem:s24+$0x11300] =	vst.msk vm1, v41;
	v42 =	vmpcnt.ones.xlane vm1  }
0x78: {  	v43 =	vld [tilespmem:s29+$0xFFFFFFF0]  }
0x79: {  	v44 =	vld [tilespmem:s26+$0xFFFFFFF0];
	(v2sf) =	vpush v42, $0x0;
	_ =	sdelay $0x1  }
0x7a: {  	v45 =	vld [tilespmem:s1+$0xFFFFFFF0];
	_ =	sdelay $0x2  }
0x7b: {  	v25 =	vmul.f32 v21, v43;
	v24 =	vmul.f32 v23, v44  }
0x7c: {  	v46 =	vld [tilespmem:s28+$0xFFFFFFF0]  }
0x7d: {  	v47 =	vmul.f32 v22, v45;
	v24 =	vadd.f32 v24, v25;
	_ =	sdelay $0x1  }
0x7e: {  	v24 =	vadd.f32 v24, v47;
	_ =	sdelay $0x1  }
0x7f: {  	v48 =	vadd.f32 v46, v20;
	v24 =	vadd.f32 v24, v24;
	_ =	sdelay $0x1  }
0x80: {  	v24 =	vsub.f32 v48, v24;
	_ =	sdelay $0x1  }
0x81: {  	s5 =	sadd.s32 $0x10, s30;
	vm1 =	vlt.f32 v24, $3.999999910e-02;
	s0 =	spop (v2sf)  }
0x82: {  	v49 =	vor.u32 s5, v0;
	v50 =	vmpcnt.ones.xlane vm1;
	s0 =	sadd.s32 s24, s0  }
0x83: {  	[tilespmem:s0+$0x11300] =	vst.msk vm1, v49  }
0x84: {  	(v2sf) =	vpush v50, $0x0;
	v24 =	vld [tilespmem:s29+$0x0]  }
0x85: {  	v51 =	vld [tilespmem:s26+$0x0];
	_ =	sdelay $0x1  }
0x86: {  	v52 =	vld [tilespmem:s1+$0x0];
	_ =	sdelay $0x2  }
0x87: {  	v24 =	vmul.f32 v21, v24;
	v25 =	vmul.f32 v23, v51  }
0x88: {  	v53 =	vld [tilespmem:s28+$0x0]  }
0x89: {  	v54 =	vmul.f32 v22, v52;
	v24 =	vadd.f32 v25, v24;
	_ =	sdelay $0x1  }
0x8a: {  	v24 =	vadd.f32 v24, v54;
	_ =	sdelay $0x1  }
0x8b: {  	v55 =	vadd.f32 v53, v20;
	v24 =	vadd.f32 v24, v24;
	_ =	sdelay $0x1  }
0x8c: {  	v24 =	vsub.f32 v55, v24  }
0x8d: {  	s8 =	sadd.s32 $0x20, s30;
	s15 =	spop (v2sf)  }
0x8e: {  	v56 =	vor.u32 s8, v0;
	s0 =	sadd.s32 s0, s15;
	vm1 =	vlt.f32 v24, $3.999999910e-02  }
0x8f: {  	[tilespmem:s0+$0x11300] =	vst.msk vm1, v56  }
0x90: {  	v24 =	vld [tilespmem:s29+$0x10]  }
0x91: {  	v57 =	vld [tilespmem:s26+$0x10];
	_ =	sdelay $0x1  }
0x92: {  	v58 =	vld [tilespmem:s1+$0x10];
	_ =	sdelay $0x2  }
0x93: {  	v24 =	vmul.f32 v21, v24;
	v25 =	vmul.f32 v23, v57  }
0x94: {  	v59 =	vld [tilespmem:s28+$0x10]  }
0x95: {  	v60 =	vmul.f32 v22, v58;
	v24 =	vadd.f32 v25, v24;
	_ =	sdelay $0x1  }
0x96: {  	v24 =	vadd.f32 v24, v60;
	_ =	sdelay $0x1  }
0x97: {  	v61 =	vadd.f32 v59, v20;
	v24 =	vadd.f32 v24, v24;
	_ =	sdelay $0x1  }
0x98: {  	v24 =	vsub.f32 v61, v24;
	_ =	sdelay $0x1  }
0x99: {  	v62 =	vmpcnt.ones.xlane vm1;
	vm1 =	vlt.f32 v24, $3.999999910e-02  }
0x9a: {  	v24 =	vmpcnt.ones.xlane vm1  }
0x9b: {  	(v2sf) =	vpush v62, $0x0  }
0x9c: {  	(v2sf) =	vpush v24, $0x0;
	_ =	sdelay $0xd  }
0x9d: {  	s21 =	spop (v2sf)  }
0x9e: {  	s0 =	sadd.s32 s0, s21;
	s24 =	spop (v2sf)  }
0x9f: {  	p0 =	sgt.u32 s30, $0x3FBF;
	s24 =	sadd.s32 s0, s24  }
0xa0: {  	p1 =	slt.s32 @!p0 s24, $0x20  }
0xa1: {  	p0 =	por p0, !p1  }
.Ltmp4:
0xa2: {  	_ = 	snop;
	(pc) =	sbr.rel @!p0 .LBB2_7-.Ltmp4, $4  }
0xa3: {  	_ = 	snop  }
0xa4: {  	s31 =	sadd.s32 $0x30, s30  }
0xa5: {  	s30 =	sadd.s32 $0x40, s30;
	v63 =	vor.u32 s31, v0;
	s1 =	sadd.s32 $0x40, s1  }
0xa6: {  	s26 =	sadd.s32 $0x40, s26;
	s28 =	sadd.s32 $0x40, s28;
	s29 =	sadd.s32 $0x40, s29;
	[tilespmem:s0+$0x11300] =	vst.msk vm1, v63  }
0xa7: {  	v20 =	vld [tilespmem:$0x11300];
	_ =	sdelay $0x2  }
0xa8: {  	p0 =	slt.s32 s24, $0x20  }
0xa9: {  	v21 =	vld [tilespmem:$0x11310];
	s24 =	simm.s32 @!p0 $0x20  }
0xaa: {  	v22 =	vmov s24;
	v23 =	vbroadcast v20, $0x0  }
0xab: {  	vm1 =	vgt.s32 v22, $0x0  }
0xac: {  	s0 =	sand.u32 $0x3F, s23;
	v23 =	vnsel vm1, $0x0, v23;
	vm1 =	vgt.s32 v22, v0  }
0xad: {  	p0 =	sne.s32 s0, $0x3F;
	v20 =	vsel vm1, v20, v23;
	vm1 =	vgt.s32 v22, v8  }
0xae: {  	s0 =	sshll.u32 s0, $0x5;
	s1 =	sshll.u32 @!p0 s23, $0x2;
	v21 =	vsel vm1, v21, v23;
	v62 =	vadd.s32 v19, v20  }
0xaf: {  	s1 =	sand.u32 @!p0 $0x700, s1;
	[tilespmem:s0+$0x12E80] =	vst v62;
	v63 =	vadd.s32 v19, v21  }
0xb0: {  	s5 =	simm.s32 @!p0 $0x12E80;
	[tilespmem:s0+$0x12E90] =	vst v63;
	s0 =	sadd.s32 @!p0 s1, s10;
	s1 =	simm.s32 @!p0 $0x0  }
0xb1: {  	[hbm4b:s0+s1] =	stream.linear.scatter @!p0 [tilespmem:s5], [sflag:$0x3], $0x800, $0x38;
	[tilespmem:$0x13680] =	vst v63  }
0xb2: {  	s0 =	simm.s32 @!p0 $0x3  }
0xb3: {  	_ =	swait.ge @!p0 [sflag:s0], $0x800  }
0xb4: {  	[sflag:s0] =	ssyncset.done @!p0 $0x0  }
0xb5: {  	[sflag:s0] =	ssyncadd.s32 @!p0 $0xFFFFF800;
	p0 =	seq.s32 s23, $0x0  }
.Ltmp5:
0xb6: {  	_ = 	snop;
	(pc) =	sbr.rel @p0 .LBB2_12-.Ltmp5, $4  }
0xb7: {  	s31 =	sshll.u32 s23, $0x5  }
0xb8: {  	s26 =	sand.u32 $0x20, s31;
	v20 =	vadd.s32 v2, v20  }
0xb9: {  	[tilespmem:s26+$0x11380] =	vst v20;
	v20 =	vadd.s32 v2, v21  }
0xba: {  	[tilespmem:s26+$0x11390] =	vst v20  }
0xbb: {  	s28 =	sadd.s32 $0xFFFFFFFF, s23  }
0xbc: {  	s0 =	smul.u32 $0x3, s28  }
0xbd: {  	_ =	swait.ge [sflag:s20], $0xA00  }
0xbe: {  	p0 =	slt.u32 s23, $0x3;
	[sflag:s20] =	ssyncset.done $0x0;
	v20 =	vmov s0  }
0xbf: {  	s1 =	simm.s32 @!p0 $0x2;
	[sflag:s20] =	ssyncadd.s32 $0xFFFFF600  }
0xc0: {  	_ =	swait.ge @!p0 [sflag:s1], $0x860  }
0xc1: {  	[sflag:s1] =	ssyncset.done @!p0 $0x0  }
0xc2: {  	[sflag:s1] =	ssyncadd.s32 @!p0 $0xFFFFF7A0  }
0xc3: {  	v21 =	vld.idx.msk [tilespmem:v20+s13+$0x0], $0xffff  }
0xc4: {  	v20 =	vld.idx.msk [tilespmem:v9+s18+$0x0], $0xffff  }
0xc5: {  	s21 =	sadd.s32 $0x1, s0;
	v22 =	vld.idx.msk [tilespmem:v14+s18+$0x0], $0xffff  }
0xc6: {  	v23 =	vmov s21  }
0xc7: {  	s0 =	sadd.s32 $0x2, s0  }
0xc8: {  	v24 =	vmov s0  }
0xc9: {  	p6 =	sgt.s32 s25, $0x0;
	v25 =	vsub.f32 v20, v21  }
0xca: {  	s25 =	sand.u32 $0x1, s28;
	v20 =	vpsel !p6, $0x0, v10;
	v21 =	vsub.f32 v22, v21  }
0xcb: {  	s0 =	simm.s32 $0x860;
	p0 =	seq.s32 s25, $0x1;
	v22 =	vld.idx.msk [tilespmem:v23+s13+$0x0], $0xffff;
	v23 =	vmul.f32 v25, v20  }
0xcc: {  	s0 =	simm.s32 @!p0 $0x0;
	v21 =	vmul.f32 v21, v20  }
0xcd: {  	v24 =	vld.idx.msk [tilespmem:v24+s13+$0x0], $0xffff;
	[tilespmem:s0+$0x11DC0] =	vst v23  }
0xce: {  	[tilespmem:s0+$0x11DD0] =	vst v21  }
0xcf: {  	v21 =	vld.idx.msk [tilespmem:v15+s18+$0x0], $0xffff  }
0xd0: {  	v23 =	vld.idx.msk [tilespmem:v16+s18+$0x0], $0xffff;
	_ =	sdelay $0x3  }
0xd1: {  	v21 =	vsub.f32 v21, v22  }
0xd2: {  	v22 =	vsub.f32 v23, v22  }
0xd3: {  	v21 =	vmul.f32 v21, v20  }
0xd4: {  	v22 =	vmul.f32 v22, v20  }
0xd5: {  	[tilespmem:s0+$0x11DE0] =	vst v21  }
0xd6: {  	[tilespmem:s0+$0x11DF0] =	vst v22  }
0xd7: {  	v21 =	vld.idx.msk [tilespmem:v17+s18+$0x0], $0xffff  }
0xd8: {  	v22 =	vld.idx.msk [tilespmem:v18+s18+$0x0], $0xffff;
	_ =	sdelay $0x1  }
0xd9: {  	s29 =	simm.s32 $0x4  }
0xda: {  	v23 =	vmov s29  }
0xdb: {  	s30 =	simm.s32 $0x3;
	v23 =	vand.u32 $0x7E, v23;
	v21 =	vsub.f32 v21, v24  }
0xdc: {  	v25 =	vadd.s32 v14, v23;
	v22 =	vsub.f32 v22, v24;
	v24 =	vmov s30  }
0xdd: {  	v23 =	vadd.s32 v9, v23;
	v24 =	vand.u32 $0x7F, v24;
	v21 =	vmul.f32 v21, v20  }
0xde: {  	v22 =	vmul.f32 v22, v20;
	v26 =	vadd.s32 v9, v24  }
0xdf: {  	[tilespmem:s0+$0x11E00] =	vst v21;
	v21 =	vadd.s32 v14, v24  }
0xe0: {  	[tilespmem:s0+$0x11E10] =	vst v22  }
0xe1: {  	v22 =	vld.idx.msk [tilespmem:v25+s18+$0x0], $0xffff  }
0xe2: {  	v23 =	vld.idx.msk [tilespmem:v23+s18+$0x0], $0xffff  }
0xe3: {  	v24 =	vld.idx.msk [tilespmem:v26+s18+$0x0], $0xffff  }
0xe4: {  	s31 =	simm.s32 $0x6;
	v26 =	vld.idx.msk [tilespmem:v21+s18+$0x0], $0xffff  }
0xe5: {  	v21 =	vmov s31  }
0xe6: {  	s5 =	simm.s32 $0x5;
	v25 =	vand.u32 $0x7E, v21;
	v27 =	vmul.f32 v22, v20  }
0xe7: {  	s1 =	sadd.s32 $0x11E50, s0;
	v22 =	vmov s5;
	v28 =	vmul.f32 v23, v20;
	v21 =	vadd.s32 v14, v25  }
0xe8: {  	v23 =	vand.u32 $0x7F, v22;
	v22 =	vadd.s32 v9, v25;
	v25 =	vmul.f32 v24, v20;
	[tilespmem:s1+$0x0] =	vst v27  }
0xe9: {  	s15 =	simm.s32 $0x8;
	s0 =	sadd.s32 $0x11DC0, s0;
	s5 =	smov.u32 s1;
	v24 =	vadd.s32 v9, v23;
	v23 =	vadd.s32 v14, v23;
	[tilespmem:s1+$0xFFFFFFF0] =	vst v28;
	v26 =	vmul.f32 v26, v20  }
.LBB2_10:
0xea: {  	p0 =	sne.s32 s15, $0x42  }
0xeb: {  	[tilespmem:s1+$0xFFFFFFD0] =	vst v25;
	s5 =	sadd.s32 $0x40, s5;
	s8 =	smov.u32 s15;
	s15 =	sadd.s32 $0x2, s15  }
0xec: {  	[tilespmem:s1+$0xFFFFFFE0] =	vst v26;
	s1 =	smov.u32 s5  }
0xed: {  	v21 =	vld.idx.msk [tilespmem:v21+s18+$0x0], $0xffff  }
0xee: {  	v22 =	vld.idx.msk [tilespmem:v22+s18+$0x0], $0xffff  }
0xef: {  	v24 =	vld.idx.msk [tilespmem:v24+s18+$0x0], $0xffff  }
0xf0: {  	v26 =	vld.idx.msk [tilespmem:v23+s18+$0x0], $0xffff;
	_ =	sdelay $0x1  }
.Ltmp6:
0xf1: {  	v23 =	vmov s8;
	(pc) =	sbr.rel @p0 .LBB2_10-.Ltmp6, $4  }
0xf2: {  	s8 =	sadd.s32 $0xFFFFFFFF, s8;
	v23 =	vand.u32 $0x7E, v23;
	v27 =	vmul.f32 v21, v20  }
0xf3: {  	v25 =	vmov s8;
	v21 =	vadd.s32 v14, v23;
	v28 =	vmul.f32 v22, v20  }
0xf4: {  	v29 =	vand.u32 $0x7F, v25;
	v22 =	vadd.s32 v9, v23;
	v25 =	vmul.f32 v24, v20;
	[tilespmem:s5+$0x0] =	vst v27  }
0xf5: {  	v23 =	vadd.s32 v14, v29;
	v24 =	vadd.s32 v9, v29;
	v26 =	vmul.f32 v26, v20;
	[tilespmem:s5+$0xFFFFFFF0] =	vst v28  }
0xf6: {  	_ =	sdelay $0x1  }
0xf7: {  	[tilespmem:s1+$0xFFFFFFD0] =	vst v25  }
0xf8: {  	[tilespmem:s1+$0xFFFFFFE0] =	vst v26  }
0xf9: {  	v21 =	vld.idx.msk [tilespmem:v21+s18+$0x0], $0xffff  }
0xfa: {  	v22 =	vld.idx.msk [tilespmem:v22+s18+$0x0], $0xffff  }
0xfb: {  	v24 =	vld.idx.msk [tilespmem:v24+s18+$0x0], $0xffff  }
0xfc: {  	v23 =	vld.idx.msk [tilespmem:v23+s18+$0x0], $0xffff;
	_ =	sdelay $0x1  }
0xfd: {  	v21 =	vmul.f32 v21, v20  }
0xfe: {  	s29 =	sadd.s32 $0x40, s5;
	v22 =	vmul.f32 v22, v20  }
.Ltmp7:
0xff: {  	s30 =	sadd.s32 s7, s28;
	v24 =	vmul.f32 v24, v20;
	[tilespmem:s29+$0x0] =	vst v21;
	(pc) =	sbr.rel .LBB2_12-.Ltmp7, $4  }
0x100: {  	s5 =	smul.u32 $0x10C, s30;
	v20 =	vmul.f32 v23, v20;
	[tilespmem:s29+$0xFFFFFFF0] =	vst v22  }
0x101: {  	[tilespmem:s29+$0xFFFFFFD0] =	vst v24  }
0x102: {  	s31 =	sadd.s32 s2, s5;
	[tilespmem:s29+$0xFFFFFFE0] =	vst v20  }
0x103: {  	[hbm4b:s31+s3] =	stream.linear.scatter [tilespmem:s0], [sflag:$0x2], $0x860, $0x38;
	[tilespmem:$0x13680] =	vst v63  }
.LBB2_13:
0x104: {  	_ =	swait.ge [sflag:s19], $0x860  }
0x105: {  	[sflag:s19] =	ssyncset.done $0x0  }
0x106: {  	[sflag:s19] =	ssyncadd.s32 $0xFFFFF7A0  }
0x107: {  	_ =	swait.ge [sflag:s20], $0xA00  }
0x108: {  	[sflag:s20] =	ssyncset.done $0x0  }
0x109: {  	[sflag:s20] =	ssyncadd.s32 $0xFFFFF600  }
0x10a: {  	v20 =	vld.idx.msk [tilespmem:v11+s13+$0x0], $0xffff  }
0x10b: {  	v19 =	vld.idx.msk [tilespmem:v9+s18+$0x0], $0xffff  }
0x10c: {  	v21 =	vld.idx.msk [tilespmem:v14+s18+$0x0], $0xffff;
	_ =	sdelay $0x3  }
0x10d: {  	p0 =	sgt.s32 s24, $0x0;
	v22 =	vsub.f32 v19, v20  }
0x10e: {  	v19 =	vpsel !p0, $0x0, v10;
	v20 =	vsub.f32 v21, v20  }
0x10f: {  	v22 =	vmul.f32 v22, v19  }
0x110: {  	v23 =	vld.idx.msk [tilespmem:v13+s13+$0x0], $0xffff;
	v20 =	vmul.f32 v20, v19  }
0x111: {  	v21 =	vld.idx.msk [tilespmem:v12+s13+$0x0], $0xffff;
	[tilespmem:$0x12620] =	vst v22  }
0x112: {  	[tilespmem:$0x12630] =	vst v20  }
0x113: {  	v20 =	vld.idx.msk [tilespmem:v15+s18+$0x0], $0xffff  }
0x114: {  	v22 =	vld.idx.msk [tilespmem:v16+s18+$0x0], $0xffff;
	_ =	sdelay $0x3  }
0x115: {  	v20 =	vsub.f32 v20, v21  }
0x116: {  	v21 =	vsub.f32 v22, v21  }
0x117: {  	v20 =	vmul.f32 v20, v19  }
0x118: {  	v21 =	vmul.f32 v21, v19  }
0x119: {  	[tilespmem:$0x12640] =	vst v20  }
0x11a: {  	[tilespmem:$0x12650] =	vst v21  }
0x11b: {  	v20 =	vld.idx.msk [tilespmem:v17+s18+$0x0], $0xffff  }
0x11c: {  	v21 =	vld.idx.msk [tilespmem:v18+s18+$0x0], $0xffff;
	_ =	sdelay $0x1  }
0x11d: {  	s0 =	simm.s32 $0x4  }
0x11e: {  	v22 =	vmov s0  }
0x11f: {  	s30 =	simm.s32 $0x3;
	v22 =	vand.u32 $0x7E, v22;
	v20 =	vsub.f32 v20, v23  }
0x120: {  	v24 =	vadd.s32 v14, v22;
	v21 =	vsub.f32 v21, v23;
	v23 =	vmov s30  }
0x121: {  	v22 =	vadd.s32 v9, v22;
	v23 =	vand.u32 $0x7F, v23;
	v20 =	vmul.f32 v20, v19  }
0x122: {  	v21 =	vmul.f32 v21, v19;
	v25 =	vadd.s32 v9, v23  }
0x123: {  	[tilespmem:$0x12660] =	vst v20;
	v20 =	vadd.s32 v14, v23  }
0x124: {  	[tilespmem:$0x12670] =	vst v21  }
0x125: {  	v21 =	vld.idx.msk [tilespmem:v24+s18+$0x0], $0xffff  }
0x126: {  	v22 =	vld.idx.msk [tilespmem:v22+s18+$0x0], $0xffff  }
0x127: {  	v23 =	vld.idx.msk [tilespmem:v25+s18+$0x0], $0xffff  }
0x128: {  	s31 =	simm.s32 $0x6;
	v25 =	vld.idx.msk [tilespmem:v20+s18+$0x0], $0xffff  }
0x129: {  	v20 =	vmov s31  }
0x12a: {  	s1 =	simm.s32 $0x5;
	v24 =	vand.u32 $0x7E, v20;
	v26 =	vmul.f32 v21, v19  }
0x12b: {  	s0 =	simm.s32 $0x126B0;
	v21 =	vmov s1;
	v27 =	vmul.f32 v22, v19;
	v20 =	vadd.s32 v14, v24  }
0x12c: {  	v22 =	vand.u32 $0x7F, v21;
	v21 =	vadd.s32 v9, v24;
	v24 =	vmul.f32 v23, v19;
	[tilespmem:s0+$0x0] =	vst v26  }
0x12d: {  	s5 =	simm.s32 $0x8;
	s1 =	simm.s32 $0x126B0;
	v23 =	vadd.s32 v9, v22;
	v22 =	vadd.s32 v14, v22;
	[tilespmem:s0+$0xFFFFFFF0] =	vst v27;
	v25 =	vmul.f32 v25, v19  }
.LBB2_14:
0x12e: {  	p0 =	sne.s32 s5, $0x42  }
0x12f: {  	[tilespmem:s0+$0xFFFFFFD0] =	vst v24;
	s1 =	sadd.s32 $0x40, s1;
	s8 =	smov.u32 s5;
	s5 =	sadd.s32 $0x2, s5  }
0x130: {  	[tilespmem:s0+$0xFFFFFFE0] =	vst v25;
	s0 =	smov.u32 s1  }
0x131: {  	v20 =	vld.idx.msk [tilespmem:v20+s18+$0x0], $0xffff  }
0x132: {  	v21 =	vld.idx.msk [tilespmem:v21+s18+$0x0], $0xffff  }
0x133: {  	v23 =	vld.idx.msk [tilespmem:v23+s18+$0x0], $0xffff  }
0x134: {  	v25 =	vld.idx.msk [tilespmem:v22+s18+$0x0], $0xffff;
	_ =	sdelay $0x1  }
.Ltmp8:
0x135: {  	v22 =	vmov s8;
	(pc) =	sbr.rel @p0 .LBB2_14-.Ltmp8, $4  }
0x136: {  	s8 =	sadd.s32 $0xFFFFFFFF, s8;
	v22 =	vand.u32 $0x7E, v22;
	v26 =	vmul.f32 v20, v19  }
0x137: {  	v24 =	vmov s8;
	v20 =	vadd.s32 v14, v22;
	v27 =	vmul.f32 v21, v19  }
0x138: {  	v28 =	vand.u32 $0x7F, v24;
	v21 =	vadd.s32 v9, v22;
	v24 =	vmul.f32 v23, v19;
	[tilespmem:s1+$0x0] =	vst v26  }
0x139: {  	v22 =	vadd.s32 v14, v28;
	v23 =	vadd.s32 v9, v28;
	v25 =	vmul.f32 v25, v19;
	[tilespmem:s1+$0xFFFFFFF0] =	vst v27  }
0x13a: {  	_ =	sdelay $0x1  }
0x13b: {  	[tilespmem:s0+$0xFFFFFFD0] =	vst v24  }
0x13c: {  	[tilespmem:s0+$0xFFFFFFE0] =	vst v25  }
0x13d: {  	v20 =	vld.idx.msk [tilespmem:v20+s18+$0x0], $0xffff  }
0x13e: {  	v21 =	vld.idx.msk [tilespmem:v21+s18+$0x0], $0xffff  }
0x13f: {  	v23 =	vld.idx.msk [tilespmem:v23+s18+$0x0], $0xffff  }
0x140: {  	v22 =	vld.idx.msk [tilespmem:v22+s18+$0x0], $0xffff;
	_ =	sdelay $0x1  }
0x141: {  	v20 =	vmul.f32 v20, v19  }
0x142: {  	s28 =	sadd.s32 $0x40, s1;
	v21 =	vmul.f32 v21, v19  }
0x143: {  	v23 =	vmul.f32 v23, v19;
	[tilespmem:s28+$0x0] =	vst v20  }
0x144: {  	v19 =	vmul.f32 v22, v19;
	[tilespmem:s28+$0xFFFFFFF0] =	vst v21  }
0x145: {  	[tilespmem:s28+$0xFFFFFFD0] =	vst v23  }
0x146: {  	s29 =	rddreg [dreg:$0x6];
	s30 =	simm.s32 $0x12620;
	[tilespmem:s28+$0xFFFFFFE0] =	vst v19  }
0x147: {  	[hbm4b:s29+s3] =	stream.linear.scatter [tilespmem:s30], [sflag:$0x2], $0x860, $0x38;
	[tilespmem:$0x13680] =	vst v63  }
0x148: {  	_ =	swait.ge [sflag:s19], $0x860  }
0x149: {  	[sflag:s19] =	ssyncset.done $0x0  }
0x14a: {  	[sflag:s19] =	ssyncadd.s32 $0xFFFFF7A0  }
0x14b: {  	_ =	swait.ge [sflag:s19], $0x860  }
0x14c: {  	s22 =	sadd.s32 $0x1, s22;
	s31 =	rddreg [dreg:$0x7]  }
0x14d: {  	p0 =	sne.s32 s22, s31  }
.Ltmp9:
0x14e: {  	_ = 	snop;
	(pc) =	sbr.rel @p0 .LBB2_1-.Ltmp9, $3  }
0x14f: {  	_ =	sdelay $0x1  }
0x150: {  	[sflag:s19] =	ssyncset.done $0x0  }
0x151: {  	[sflag:s19] =	ssyncadd.s32 $0xFFFFF7A0  }
0x152: {  	_ =	sfence.sel $0x180000  }
0x153: {  	[bflag:$0x0] =	sbarrier.arrive $0xFFFF  }
0x154: {  	_ =	strace $0x90000047  }
0x155: {  	s0 =	stileid.u32;
	[bflag:$0x2] =	sbarrier.arrive $0xFFFF  }
0x156: {  	p0 =	sne.s32 s0, $0x0;
	s0 =	rddreg [dreg:$0x3]  }
0x157: {  	s0 =	sadd.s32 @!p0 $0x100000, s0  }
0x158: {  	[sflag:s0] =	ssyncadd.tile.s32 @!p0 $0x1;
	_ =	shalt  }
.Lfunc_end2:
_tile_overlayer_lowered:
.L_overlay_start_2:
0x159: {  	(tag) =	ssettag $0x2  }
0x15a: {  	s0 =	rddreg [dreg:$0x0];
	s2 =	stileid.u32  }
0x15b: {  	s1 =	rddreg [dreg:$0x1];
	p0 =	sne.s32 s2, $0x0  }
0x15c: {  	s3 =	rddreg [dreg:$0x2];
	[bflag:$0x3] =	sbarrier.arrive $0xFFFF;
	s2 =	simm.s32 @!p0 $0x1C03  }
0x15d: {  	[timem:s3], [sflag:s2] =	dma.local @!p0 [hbm:s0], s1  }
0x15e: {  	s0 =	simm.s32 @!p0 $0x3  }
0x15f: {  	_ =	swait.ge @!p0 [sflag:s0], s1  }
0x160: {  	s1 =	ssub.s32 @!p0 $0x0, s1;
	[sflag:s0] =	ssyncset.done @!p0 $0x0  }
0x161: {  	[sflag:s0] =	ssyncadd.s32 @!p0 s1  }
0x162: {  	[bflag:$0x3] =	sbarrier.arrive $0xFFFF  }
0x163: {  	_ =	shalt  }

// kernel: sparse-core-data-format-call.cloned.1.call-start
scs
called_computation_lowered:
.L_overlay_start_0:
0x0: {  	s2 =	sld [smem:$0x3FD9]  }
0x1: {  	s3 =	sld [smem:$0x3FFE];
	_ =	sdelay $0x1  }
0x2: {  	s1 =	srdreg.scid  }
0x3: {  	s0 =	sand.u32 $0x1, s1  }
0x4: {  	s15 =	sshll.u32 s0, $0xA;
	s2 =	sadd.s32 s3, s2  }
0x5: {  	s2 =	sadd.s32 s2, s15  }
0x6: {  	[smem:$0x3FC3] =	sst s2  }
0x7: {  	_ = 	snop  }
0x8: {  	s2 =	sld [smem:$0x3FD0];
	_ =	sdelay $0x2  }
0x9: {  	s16 =	simm.s32 $0xA;
	s4 =	simm.s32 $0x10  }
0xa: {  	[smem:s4], [sflag:s16] =	dma.local [hbm:s2], $0x1  }
0xb: {  	_ =	swait.eq [sflag:s16], $0x1  }
0xc: {  	[sflag:s16] =	ssyncset.done $0x0  }
0xd: {  	[sflag:s16] =	ssyncadd.s32 $0xFFFFFFFF  }
0xe: {  	s17 =	sld [smem:$0x10];
	(tm) =	ssettm $0x1  }
0xf: {  	s18 =	sld [smem:$0x3FFB];
	_ =	sdelay $0x3  }
0x10: {  	_ =	strace s18  }
0x11: {  	s3 =	sld [smem:$0x3FFC];
	_ =	sdelay $0x3  }
0x12: {  	_ =	strace s3  }
0x13: {  	s3 =	sld [smem:$0x3FFD];
	_ =	sdelay $0x3  }
0x14: {  	_ =	strace s3  }
0x15: {  	_ =	strace $0x8FFFFFFF  }
0x16: {  	s19 =	sld [smem:$0x3FDB];
	_ =	sdelay $0x1  }
0x17: {  	s20 =	simm.s32 $_scs_section_size  }
0x18: {  	s5 =	simm.s32 $_size__tile_overlayer_lowered;
	s6 =	simm.s32 $_tile_overlayer_lowered  }
0x19: {  	s23 =	simm.s32 $0x1BFF;
	s22 =	sshll.u32 s6, $0x1;
	s3 =	sadd.s32 s20, s19  }
0x1a: {  	s7 =	simm.s32 $0x0;
	s21 =	sshll.u32 s5, $0x1;
	s5 =	sadd.s32 s22, s3  }
0x1b: {  	[timem:s7], [sflag:s23] =	dma.local [hbm:s5], s21  }
0x1c: {  	_ =	swait.ge [sflag:s23], s21  }
0x1d: {  	s4 =	ssub.s32 $0x0, s21;
	[sflag:s23] =	ssyncset.done $0x0  }
0x1e: {  	[sflag:s23] =	ssyncadd.s32 s4;
	_ =	sdelay $0x1  }
0x1f: {  	s24 =	simm.s32 $0x1B8B  }
0x20: {  	_ =	swait.ge [sflag:s24], $0x1  }
0x21: {  	[sflag:s24] =	ssyncset.done $0x0  }
0x22: {  	s26 =	simm.s32 $0x1B8E;
	s25 =	sld [smem:$0x3FFE];
	[sflag:s24] =	ssyncadd.s32 $0xFFFFFFFF  }
0x23: {  	s27 =	simm.s32 $execute0_lowered;
	[smem:$0x3FD2] =	sst s26  }
0x24: {  	s5 =	sshll.u32 s27, $0x1;
	_ =	strace $0x80000049;
	[dreg:$0x1] =	wrdreg $0xFFFFFFFF  }
0x25: {  	s28 =	simm.s32 $_size_execute0_lowered;
	s3 =	sadd.s32 s3, s5;
	[dreg:$0x0] =	wrdreg $0x0  }
0x26: {  	s5 =	sshll.u32 s28, $0x1;
	[dreg:$0x2] =	wrdreg s3  }
0x27: {  	[dreg:$0x3] =	wrdreg s5  }
0x28: {  	[dreg:$0x4] =	wrdreg $0xC0  }
0x29: {  	_ =	task [dreg:s7], $0x5FFFF  }
0x2a: {  	[dreg:$0x1] =	wrdreg $0xFFFFFFFF  }
0x2b: {  	[dreg:$0x0] =	wrdreg $0x60  }
0x2c: {  	[dreg:$0x2] =	wrdreg s25  }
0x2d: {  	[dreg:$0x3] =	wrdreg s17  }
0x2e: {  	[dreg:$0x4] =	wrdreg $0x9  }
0x2f: {  	_ =	task.clear_ibuf [dreg:s7], $0x5FFFF;
	_ =	strace $0x90000049  }
0x30: {  	s29 =	simm.s32 $0x9;
	_ =	strace $0x8000004B  }
0x31: {  	_ =	swait.ge [sflag:s29], $0x1  }
0x32: {  	[sflag:s29] =	ssyncadd.s32 $0xFFFFFFFF  }
0x33: {  	_ =	strace $0x9000004B  }
0x34: {  	_ =	sfence  }
0x35: {  	s30 =	sld [smem:$0x0];
	_ =	sdelay $0x2  }
0x36: {  	s31 =	sshll.u32 s1, $0xD;
	s1 =	sshrl.u32 s1, $0x2  }
0x37: {  	s3 =	sand.u32 $0x4000, s31;
	s1 =	sadd.s32 s1, s30  }
0x38: {  	s0 =	sor.u32 s3, s0;
	s1 =	sshll.u32 s1, $0x11  }
0x39: {  	s0 =	sor.u32 s1, s0  }
0x3a: {  	s0 =	sadd.s32 $0x8F2B, s0  }
0x3b: {  	[sflag:s0] =	ssyncadd.remote.s32 $0x1  }
0x3c: {  	_ =	sfence.sel $0xFFFF  }
0x3d: {  	[dreg:$0x0] =	wrdreg $0xFFFFFFFF;
	(pc) =	sbr.abs _section_cstart, $3  }
0x3e: {  	[dreg:$0x1] =	wrdreg $0xFFFFFFFF  }
0x3f: {  	_ =	task.clear_ibuf [dreg:s7], $0x2FFFF;
	_ =	strace $0x9FFFFFFF  }
0x40: {  	(tm) =	ssettm $0x7FFFFFFF  }
0x41: {  	_ =	shalt  }
tec
execute0_lowered:
.L_overlay_start_1:
0x0: {  	(tag) =	ssettag $0x1  }
0x1: {  	s0 =	srdreg.scid  }
0x2: {  	s1 =	sshll.u32 s0, $0x4  }
0x3: {  	s6 =	rddreg [dreg:$0x0];
	s0 =	stileid.u32;
	s1 =	sand.u32 $0x10, s1  }
0x4: {  	s3 =	rddreg [dreg:$0x1];
	s1 =	sor.u32 s0, s1  }
0x5: {  	s5 =	simm.s32 $0x1;
	s31 =	simm.s32 $0x2;
	s2 =	sshll.u32 s1, $0x7  }
0x6: {  	s15 =	simm.s32 $0x0;
	s8 =	simm.s32 $0x20000;
	s4 =	ssub.s32 $0x4000, s2  }
0x7: {  	s14 =	simm.s32 $0x0;
	s9 =	simm.s32 $0x0;
	s30 =	sand.u32 $0xF80, s4  }
0x8: {  	s10 =	simm.s32 $0x0;
	s11 =	simm.s32 $0x0;
	p0 =	sne.s32 s30, $0x0  }
.Ltmp0:
0x9: {  	s7 =	sshrl.u32 s4, $0xC;
	s5 =	simm.s32 @!p0 $0x0;
	(pc) =	sbr.rel .LBB1_1-.Ltmp0, $4  }
0xa: {  	s13 =	simm.s32 $0x0;
	s1 =	rddreg [dreg:$0x2];
	s5 =	sadd.s32 s5, s7  }
0xb: {  	_ =	strace $0x8000004A;
	s4 =	simm.s32 $0x1;
	s5 =	smul.u32 $0x11, s5  }
0xc: {  	s6 =	sadd.s32 $0x2200, s6;
	s12 =	smov.u32 s2;
	[sflag:s4] =	ssyncpa.u1 $0x0  }
0xd: {  	[sflag:s31] =	ssyncpa.u1 $0x0;
	p0 =	por $0x0, $0x0;
	s7 =	sadd.s32 $0x1, s5  }
.LBB1_4:
0xe: {  	s20 =	sshra.s32 s20, $0x2  }
0xf: {  	s28 =	sand.u32 $0x78, s10;
	s21 =	sshll.u32 s9, $0xE;
	s22 =	sshll.u32 s10, $0x3  }
0x10: {  	s24 =	sshll.u32 s9, $0x7;
	p1 =	sgt.s32 s9, $0x7E0;
	s30 =	sshra.s32 s9, $0x1F  }
0x11: {  	s26 =	sshra.s32 s10, $0x1F;
	s19 =	sadd.s32 s20, s19;
	s21 =	sand.u32 $0xFFFE0000, s21  }
0x12: {  	v5 =	vld [tilespmem:s17+$0xFFFFFFD0];
	[tilespmem:s18+$0x2040 ss:$0x81] =	vst.msk $0xffff, v4;
	s23 =	sand.u32 $0xFFFFFC00, s22;
	s29 =	sand.u32 $0x380, s24;
	s22 =	sand.u32 $0x3C00, s22  }
0x13: {  	v58 =	vld [tilespmem:s17+$0xFFFFFFE0];
	[tilespmem:s18+$0x2850 ss:$0x81] =	vst.msk $0xffff, v3;
	s21 =	sadd.s32 s23, s21;
	s20 =	sor.u32 s28, s22;
	s22 =	smov.u32 s9  }
0x14: {  	v59 =	vld [tilespmem:s17+$0xFFFFFFF0];
	[tilespmem:s18+$0x3060 ss:$0x81] =	vst.msk $0xffff, v2;
	s24 =	sand.u32 s30, s9;
	s21 =	sshrl.u32 s21, $0xE;
	s22 =	simm.s32 @!p1 $0x7E0  }
0x15: {  	v60 =	vld [tilespmem:s17+$0x0];
	[tilespmem:s18+$0x0 ss:$0x81] =	vst.msk $0xffff, v1;
	p1 =	sgt.s32 s10, $0x3F80;
	s31 =	ssub.s32 s22, s24;
	s22 =	smov.u32 s10  }
0x16: {  	v61 =	vld [tilespmem:s17+$0x10];
	[tilespmem:s19+$0x3870 ss:$0x81] =	vst.msk $0xffff, v0;
	s25 =	smulhi.u32 $0x1E9132, s21;
	s24 =	sand.u32 s26, s10;
	s22 =	simm.s32 @!p1 $0x3F80  }
0x17: {  	v62 =	vld [tilespmem:s17+$0x20];
	s20 =	sor.u32 s29, s20;
	[tilespmem:s19+$0x810 ss:$0x81] =	vst.msk $0xffff, v5;
	s27 =	sadd.s32 $0xFFFFF820, s31;
	s22 =	ssub.s32 s22, s24  }
0x18: {  	v63 =	vld [tilespmem:s17+$0xFFFFFFC0];
	[tilespmem:s19+$0x1020 ss:$0x81] =	vst.msk $0xffff, v58;
	s18 =	ssub.s32 $0x860, s31;
	s28 =	smul.u32 $0x860, s25;
	s29 =	sadd.s32 $0xFFFFC080, s22  }
0x19: {  	[tilespmem:s19+$0x1830 ss:$0x81] =	vst.msk $0xffff, v59;
	p1 =	sgt.s32 s27, $0x7F;
	s22 =	ssub.s32 $0x4000, s22;
	p2 =	sgt.s32 s29, $0x7F  }
0x1a: {  	s30 =	sand.u32 $0x7, s10;
	[tilespmem:s19+$0x2040 ss:$0x81] =	vst.msk $0xffff, v60;
	s18 =	simm.s32 @p1 $0x0;
	s22 =	simm.s32 @p2 $0x0  }
0x1b: {  	s20 =	sshrl.u32 s20, $0x3;
	[tilespmem:s19+$0x2850 ss:$0x81] =	vst.msk $0xffff, v61;
	s17 =	ssub.s32 s21, s28;
	s18 =	smul.u32 s22, s18  }
0x1c: {  	[tilespmem:s19+$0x3060 ss:$0x81] =	vst.msk $0xffff, v62;
	s20 =	sadd.s32 s3, s20;
	s21 =	sshll.u32 s30, $0x12;
	s17 =	sshll.u32 s17, $0xB  }
0x1d: {  	[tilespmem:s19+$0x0 ss:$0x81] =	vst.msk $0xffff, v63;
	s31 =	sor.u32 $0x400, s21;
	s17 =	sadd.s32 s17, s20;
	s18 =	sand.u32 $0x3FFFFFFF, s18  }
0x1e: {  	[hbm4b:s17+s31] =	stream.strided.scatter [tilespmem:s16], [sflag:$0x2], s18, s8, s31, $0x20;
	[tilespmem:$0x10100] =	vst v63  }
.LBB1_5:
0x1f: {  	p1 =	slt.u32 s13, $0x2  }
0x20: {  	s17 =	smov.u32 s15;
	p2 =	sgt.s32 @!p1 s15, $0x7E0;
	s16 =	sshra.s32 @!p1 s15, $0x1F  }
0x21: {  	p3 =	sgt.s32 @!p1 s14, $0x3F80;
	s18 =	sshra.s32 @!p1 s14, $0x1F;
	p2 =	por !p2, p1  }
0x22: {  	s15 =	sand.u32 @!p1 s16, s15;
	p3 =	por !p3, p1;
	s16 =	smov.u32 s14  }
0x23: {  	s14 =	sand.u32 @!p1 s18, s14;
	s17 =	simm.s32 @p2 $0x7E0;
	s16 =	simm.s32 @p3 $0x3F80  }
0x24: {  	s15 =	ssub.s32 @!p1 s17, s15;
	s14 =	ssub.s32 @!p1 s16, s14  }
0x25: {  	s18 =	smov.u32 s12;
	s16 =	sadd.s32 @!p1 $0xFFFFF820, s15;
	s17 =	sadd.s32 @!p1 $0xFFFFC080, s14  }
0x26: {  	s15 =	ssub.s32 @!p1 $0x860, s15;
	p2 =	sgt.s32 @!p1 s16, $0x7F;
	p3 =	sgt.s32 @!p1 s17, $0x7F  }
0x27: {  	s14 =	ssub.s32 @!p1 $0x4000, s14;
	p2 =	por !p2, p1;
	p3 =	por !p3, p1  }
0x28: {  	s16 =	sadd.s32 $0x80, s11;
	s15 =	simm.s32 @!p2 $0x0;
	s14 =	simm.s32 @!p3 $0x0  }
0x29: {  	p2 =	sgt.s32 s16, $0x85F;
	s14 =	smul.u32 @!p1 s14, s15;
	s15 =	sadd.s32 $0x1000, s12  }
0x2a: {  	s18 =	smov.u32 @p2 s15  }
0x2b: {  	s16 =	simm.s32 @p2 $0x0;
	p2 =	sgt.s32 s18, $0x3FFF  }
0x2c: {  	s18 =	smov.u32 @p2 s2;
	p2 =	sne.s32 s13, s7  }
.Ltmp1:
0x2d: {  	p0 =	por !p0, !p0;
	s17 =	simm.s32 @!p1 $0x2;
	(pc) =	sbr.rel @!p2 .LBB1_6-.Ltmp1, $4  }
0x2e: {  	s15 =	smov.u32 s9;
	s9 =	smov.u32 s11;
	s14 =	sand.u32 @!p1 $0x3FFFFFFF, s14  }
0x2f: {  	s11 =	smov.u32 s16;
	_ =	swait.ge @!p1 [sflag:s17], s14;
	s19 =	ssub.s32 @!p1 $0x0, s14  }
0x30: {  	s14 =	smov.u32 s10;
	s13 =	sadd.s32 $0x1, s13;
	[sflag:s17] =	ssyncset.done @!p1 $0x0  }
0x31: {  	s10 =	smov.u32 s12;
	s12 =	smov.u32 s18;
	[sflag:s17] =	ssyncadd.s32 @!p1 s19  }
.LBB1_1:
0x32: {  	p1 =	sge.u32 s13, s5  }
0x33: {  	s16 =	sshrl.u32 @!p1 s12, $0x3  }
0x34: {  	s17 =	sshll.u32 @!p1 s11, $0x3;
	s16 =	smul.u32 @!p1 $0x4400, s16  }
0x35: {  	s18 =	sshll.u32 @!p1 s12, $0x7;
	s17 =	sand.u32 @!p1 $0xFFFFFC00, s17  }
0x36: {  	s16 =	sadd.s32 @!p1 s16, s17;
	s17 =	sand.u32 @!p1 $0x380, s18  }
0x37: {  	s18 =	sand.u32 @!p1 $0x7F, s11;
	s16 =	sor.u32 @!p1 s17, s16  }
0x38: {  	s17 =	sor.u32 @!p1 s18, s16  }
0x39: {  	s18 =	smulhi.u32 @!p1 $0xF0F0F0F1, s17;
	_ =	sdelay $0x1  }
0x3a: {  	s16 =	smulhi.u32 @!p1 $0xF0F0F0F1, s16;
	s18 =	sshrl.u32 @!p1 s18, $0xB  }
0x3b: {  	s18 =	smul.u32 @!p1 $0x880, s18  }
0x3c: {  	s31 =	sadd.s32 $0xFFFFFFFF, s13;
	s19 =	sxor.u32 @!p1 $0xFFFFFFFF, s13;
	s16 =	sshrl.u32 @!p1 s16, $0xB  }
0x3d: {  	s19 =	sshll.u32 @!p1 s19, $0xE;
	s16 =	sand.u32 @!p1 $0x3FFF, s16;
	s17 =	ssub.s32 @!p1 s17, s18  }
0x3e: {  	s16 =	smul.u32 @!p1 $0x110, s16;
	s18 =	sshrl.u32 @!p1 s17, $0x3;
	s17 =	sand.u32 @!p1 $0x7, s17  }
0x3f: {  	s19 =	sand.u32 @!p1 $0x4000, s19;
	s18 =	sadd.s32 @!p1 s6, s18;
	s17 =	sshll.u32 @!p1 s17, $0x12  }
0x40: {  	s16 =	sadd.s32 @!p1 s16, s18;
	s17 =	sor.u32 @!p1 $0x400, s17;
	s18 =	simm.s32 @!p1 $0x4400  }
0x41: {  	[tilespmem:s19], [sflag:$0x1] =	stream.strided.gather @!p1 [hbm4b:s16+s17], $0x4000, s18, s17, $0x38;
	[tilespmem:$0x10100] =	vst v63  }
0x42: {  	p1 =	sge.u32 s31, s5  }
.Ltmp2:
0x43: {  	_ = 	snop;
	(pc) =	sbr.rel @p1 .LBB1_5-.Ltmp2, $1  }
0x44: {  	_ =	sdelay $0x3  }
0x45: {  	s16 =	simm.s32 $0x1  }
0x46: {  	_ =	swait.ge [sflag:s4], $0x4000;
	s16 =	simm.s32 @!p0 $0x0  }
0x47: {  	[sflag:s4] =	ssyncset.done $0x0;
	s17 =	sshll.u32 s16, $0xE  }
0x48: {  	[sflag:s4] =	ssyncadd.s32 $0xFFFFC000;
	s17 =	sor.u32 $0x40, s17  }
0x49: {  	s16 =	smul.u32 $0x10200, s16;
	v0 =	vld [tilespmem:s17+$0x30]  }
0x4a: {  	v1 =	vld [tilespmem:s17+$0xFFFFFFD0]  }
0x4b: {  	s16 =	sshrl.u32 s16, $0x2;
	v5 =	vld [tilespmem:s17+$0xFFFFFFE0]  }
0x4c: {  	v6 =	vld [tilespmem:s17+$0xFFFFFFF0];
	s19 =	sor.u32 $0x8000, s16  }
0x4d: {  	s31 =	sand.u32 $0x1, s13;
	v4 =	vld [tilespmem:s17+$0x0];
	s18 =	sadd.s32 $0x0, s19  }
0x4e: {  	v3 =	vld [tilespmem:s17+$0x10];
	s16 =	smul.u32 $0x10200, s31;
	[tilespmem:s18+$0x3870 ss:$0x81] =	vst.msk $0xffff, v0  }
0x4f: {  	v2 =	vld [tilespmem:s17+$0x20];
	[tilespmem:s18+$0x810 ss:$0x81] =	vst.msk $0xffff, v1  }
0x50: {  	s16 =	sshrl.u32 s16, $0x2;
	v1 =	vld [tilespmem:s17+$0xFFFFFFC0];
	[tilespmem:s18+$0x1020 ss:$0x81] =	vst.msk $0xffff, v5;
	s17 =	sadd.s32 $0x80, s17  }
0x51: {  	s20 =	simm.s32 $0x4;
	s21 =	simm.s32 $0x8;
	s16 =	sor.u32 $0x8000, s16;
	[tilespmem:s18+$0x1830 ss:$0x81] =	vst.msk $0xffff, v6;
	v0 =	vld [tilespmem:s17+$0x30]  }
.LBB1_3:
0x52: {  	p1 =	sne.s32 s21, $0x1FC;
	v5 =	vld [tilespmem:s17+$0xFFFFFFD0];
	[tilespmem:s18+$0x2040 ss:$0x81] =	vst.msk $0xffff, v4  }
0x53: {  	v6 =	vld [tilespmem:s17+$0xFFFFFFE0];
	[tilespmem:s18+$0x2850 ss:$0x81] =	vst.msk $0xffff, v3  }
0x54: {  	s22 =	sshra.s32 s20, $0x2;
	s20 =	smov.u32 s21;
	v7 =	vld [tilespmem:s17+$0xFFFFFFF0];
	[tilespmem:s18+$0x3060 ss:$0x81] =	vst.msk $0xffff, v2  }
.Ltmp3:
0x55: {  	v4 =	vld [tilespmem:s17+$0x0];
	[tilespmem:s18+$0x0 ss:$0x81] =	vst.msk $0xffff, v1;
	s18 =	sadd.s32 s22, s19;
	(pc) =	sbr.rel @p1 .LBB1_3-.Ltmp3, $4  }
0x56: {  	v3 =	vld [tilespmem:s17+$0x10];
	[tilespmem:s18+$0x3870 ss:$0x81] =	vst.msk $0xffff, v0  }
0x57: {  	[tilespmem:s18+$0x810 ss:$0x81] =	vst.msk $0xffff, v5;
	v2 =	vld [tilespmem:s17+$0x20]  }
0x58: {  	v1 =	vld [tilespmem:s17+$0xFFFFFFC0];
	[tilespmem:s18+$0x1020 ss:$0x81] =	vst.msk $0xffff, v6;
	s17 =	sadd.s32 $0x80, s17  }
0x59: {  	s21 =	sadd.s32 $0x4, s21;
	v0 =	vld [tilespmem:s17+$0x30];
	[tilespmem:s18+$0x1830 ss:$0x81] =	vst.msk $0xffff, v7  }
.Ltmp4:
0x5a: {  	_ = 	snop;
	(pc) =	sbr.rel .LBB1_4-.Ltmp4, $1  }
0x5b: {  	_ =	sdelay $0x3  }
.LBB1_6:
0x5c: {  	_ =	sfence.sel $0x180000  }
0x5d: {  	s2 =	simm.s32 $0x1;
	[bflag:$0x0] =	sbarrier.arrive $0xFFFF  }
0x5e: {  	s31 =	simm.s32 $0x2;
	[sflag:s2] =	ssyncpa.u1 $0x1  }
0x5f: {  	[sflag:s31] =	ssyncpa.u1 $0x1  }
0x60: {  	p0 =	sne.s32 s0, $0x0;
	_ =	strace $0x9000004A  }
0x61: {  	s0 =	sadd.s32 @!p0 $0x100000, s1;
	[bflag:$0x2] =	sbarrier.arrive $0xFFFF  }
0x62: {  	[sflag:s0] =	ssyncadd.tile.s32 @!p0 $0x1;
	_ =	shalt  }
.Lfunc_end1:
_tile_overlayer_lowered:
.L_overlay_start_2:
0x63: {  	(tag) =	ssettag $0x2  }
0x64: {  	s0 =	rddreg [dreg:$0x0];
	s2 =	stileid.u32  }
0x65: {  	s1 =	rddreg [dreg:$0x1];
	p0 =	sne.s32 s2, $0x0  }
0x66: {  	s3 =	rddreg [dreg:$0x2];
	[bflag:$0x3] =	sbarrier.arrive $0xFFFF;
	s2 =	simm.s32 @!p0 $0x1C01  }
0x67: {  	[timem:s3], [sflag:s2] =	dma.local @!p0 [hbm:s0], s1  }
0x68: {  	s0 =	simm.s32 @!p0 $0x1  }
0x69: {  	_ =	swait.ge @!p0 [sflag:s0], s1  }
0x6a: {  	s1 =	ssub.s32 @!p0 $0x0, s1;
	[sflag:s0] =	ssyncset.done @!p0 $0x0  }
0x6b: {  	[sflag:s0] =	ssyncadd.s32 @!p0 s1  }
0x6c: {  	[bflag:$0x3] =	sbarrier.arrive $0xFFFF  }
0x6d: {  	_ =	shalt  }

</sc_bundles>
